<compile_context>
chip_gen: v7x
topology: tpu7x:2x2x1
jax: 0.10.2.dev20260603
libtpu: 0.0.44.dev20260713+nightly
codegen_flags: <defaults>
</compile_context>

<pallas_src>
import jax
import jax.numpy as jnp
from jax import lax
from jax.experimental import pallas as pl
from jax.experimental.pallas import tpu as pltpu
from jax.experimental.pallas import tpu_sc as plsc

TOTAL = 32768
D_STATE = 128
N_ACTIONS = 64
B = 16
BLK = 2048
ROWS = BLK // 128
GRID = TOTAL // BLK
LOG_REWARD_CLIP_MIN = -100.0

N_TILES = 16
CHUNK = TOTAL // N_TILES
LANES = 16

_DN = (((0,), (0,)), ((), ()))


def _to_col(packed):
    t = packed.T
    return jnp.concatenate([t[:, r:r + 1] for r in range(ROWS)], axis=0)


def _tc_kernel(x_ref, a_ref, lo_ref, hi_ref, w_ref, b_ref, pb_ref):
    pid = pl.program_id(0)

    x = x_ref[...]
    w = w_ref[...]
    logits = jnp.dot(x, w, preferred_element_type=jnp.float32)
    logits = logits + b_ref[...]

    e = jnp.exp(logits)
    a = _to_col(a_ref[...])
    col = lax.broadcasted_iota(jnp.int32, (BLK, N_ACTIONS), 1)
    masked = jnp.where(col == a, logits, 0.0)
    ones = jnp.ones((N_ACTIONS, 1), jnp.float32)
    se = jnp.dot(e, ones, preferred_element_type=jnp.float32)
    ga = jnp.dot(masked, ones, preferred_element_type=jnp.float32)
    g = ga - jnp.log(se)

    pos = pid * BLK + lax.broadcasted_iota(jnp.int32, (BLK, 1), 0)
    lo = lo_ref[...]
    hi = hi_ref[...]
    onehot = (pos >= lo) & (pos < hi)
    pb_oh = onehot & (pos + 1 != hi)

    pb_part = lax.dot_general(pb_oh.astype(jnp.float32), g, _DN,
                              preferred_element_type=jnp.float32)

    @pl.when(pid == 0)
    def _init():
        pb_ref[...] = jnp.zeros_like(pb_ref)

    pb_ref[...] += pb_part


_GDN = lax.GatherDimensionNumbers(offset_dims=(), collapsed_slice_dims=(0,),
                                  start_index_map=(0,))


def _lane_total(x, lane):
    for sh in (8, 4, 2, 1):
        idx = (lane + sh) & (LANES - 1)
        x = x + lax.gather(x, idx[:, None], _GDN, (1,),
                           mode=lax.GatherScatterMode.PROMISE_IN_BOUNDS)
    return x


def _sc_kernel(lpf_hbm, cub_hbm, pf_hbm,
               lpf_v, cub_v, row_v, mat_v, out_v, sh_flat, sem):
    sid = lax.axis_index("s")
    base = sid * CHUNK
    c1 = pltpu.async_copy(lpf_hbm.at[pl.ds(base, CHUNK)], lpf_v, sem)
    c2 = pltpu.async_copy(cub_hbm, cub_v, sem)
    c1.wait()
    c2.wait()

    lane = lax.iota(jnp.int32, LANES)
    zf = jnp.zeros((LANES,), jnp.float32)

    bnd = [cub_v[pl.ds(j * LANES, LANES)] for j in range(B)]

    def one_chunk(pos, lv, acc):
        out = []
        lt_prev = None
        for s in range(B):
            lt = pos < bnd[s]
            m = lt if s == 0 else lt ^ lt_prev
            out.append(acc[s] + jnp.where(m, lv, 0.0))
            lt_prev = lt
        return out

    def body(i, acc):
        pos = base + (2 * i) * LANES + lane
        lv = lpf_v[pl.ds((2 * i) * LANES, LANES)]
        acc = one_chunk(pos, lv, acc)
        lv2 = lpf_v[pl.ds((2 * i + 1) * LANES, LANES)]
        acc = one_chunk(pos + LANES, lv2, acc)
        return acc

    acc = lax.fori_loop(0, CHUNK // (2 * LANES), body, [zf] * B)

    rowpf = zf
    for s in range(B):
        rowpf = rowpf + jnp.where(lane == s, _lane_total(acc[s], lane), 0.0)

    row_v[...] = rowpf
    pltpu.sync_copy(row_v, sh_flat.at[pl.ds(sid * B, B)])
    plsc.subcore_barrier()

    @pl.when(sid == 0)
    def _finalize():
        pltpu.sync_copy(sh_flat, mat_v)
        pf = mat_v[pl.ds(0, B)]
        for r in range(1, N_TILES):
            pf = pf + mat_v[pl.ds(r * B, B)]
        out_v[...] = pf
        pltpu.sync_copy(out_v, pf_hbm)


_sc_call_cache = []


def _get_sc_call():
    if not _sc_call_cache:
        _sc_call_cache.append(pl.kernel(
            _sc_kernel,
            out_type=[jax.ShapeDtypeStruct((B,), jnp.float32)],
            mesh=plsc.VectorSubcoreMesh(core_axis_name="c",
                                        subcore_axis_name="s",
                                        num_cores=1, num_subcores=16),
            scratch_types=[
                pltpu.VMEM((CHUNK,), jnp.float32),
                pltpu.VMEM((B * LANES,), jnp.int32),
                pltpu.VMEM((B,), jnp.float32),
                pltpu.VMEM((N_TILES * B,), jnp.float32),
                pltpu.VMEM((B,), jnp.float32),
                pltpu.VMEM_SHARED((N_TILES * B,), jnp.float32),
                pltpu.SemaphoreType.DMA,
            ],
        ))
    return _sc_call_cache[0]


@jax.jit
def kernel(flat_states, flat_actions, flat_log_pf, cu_seqlens, log_rewards,
           W_pb, b_pb):
    actions2d = flat_actions.astype(jnp.int32).reshape(TOTAL // 128, 128)
    b2d = b_pb.reshape(1, N_ACTIONS)
    cu = cu_seqlens.astype(jnp.int32)
    cu_lo = cu[0:B].reshape(1, B)
    cu_hi = cu[1:B + 1].reshape(1, B)
    cu_b = jnp.broadcast_to(cu[1:B + 1][:, None], (B, LANES)).reshape(-1)

    (pf,) = _get_sc_call()(flat_log_pf, cu_b)

    pb2 = pl.pallas_call(
        _tc_kernel,
        grid=(GRID,),
        in_specs=[
            pl.BlockSpec((BLK, D_STATE), lambda i: (i, 0)),
            pl.BlockSpec((ROWS, 128), lambda i: (i, 0)),
            pl.BlockSpec((1, B), lambda i: (0, 0)),
            pl.BlockSpec((1, B), lambda i: (0, 0)),
            pl.BlockSpec((D_STATE, N_ACTIONS), lambda i: (0, 0)),
            pl.BlockSpec((1, N_ACTIONS), lambda i: (0, 0)),
        ],
        out_specs=pl.BlockSpec((B, 1), lambda i: (0, 0)),
        out_shape=jax.ShapeDtypeStruct((B, 1), jnp.float32),
    )(flat_states, actions2d, cu_lo, cu_hi, W_pb, b2d)

    pb = pb2.reshape(B)
    sc = pf - pb - jnp.maximum(log_rewards, LOG_REWARD_CLIP_MIN)
    return pf, pb, sc

# --- scband reference (transcript-rebuilt; emitter-appended) ---
"""Pipeline reference for scband-trajectory-based-gflow-net-63264868270456 (READ-ONLY COPY).

The authoritative reference and input builder live on the scoring server;
editing this copy changes nothing except your own understanding.
"""

import jax, jax.numpy as jnp
import numpy as np

B = 16
TOTAL = 32768
D_STATE = 128
N_ACTIONS = 64
LOG_REWARD_CLIP_MIN = -100.0


def setup_inputs(seed: int = 0) -> dict:
    key = jax.random.key(seed)
    ks = jax.random.split(key, 8)
    flat_states = jax.random.normal(ks[0], (TOTAL, D_STATE), dtype=jnp.float32)
    flat_actions = jax.random.randint(ks[1], (TOTAL,), 0, N_ACTIONS)
    # log_probs from forward-policy sampling are <= 0
    flat_log_pf = -jnp.abs(jax.random.normal(ks[2], (TOTAL,), dtype=jnp.float32))
    interior = jnp.sort(jax.random.randint(ks[3], (B - 1,), 1, TOTAL)).astype(jnp.int32)
    cu_seqlens = jnp.concatenate([
        jnp.array([0], dtype=jnp.int32), interior, jnp.array([TOTAL], dtype=jnp.int32)
    ])
    log_rewards = jax.random.normal(ks[4], (B,), dtype=jnp.float32)
    W_pb = jax.random.normal(ks[5], (D_STATE, N_ACTIONS), dtype=jnp.float32) * 0.02
    b_pb = jnp.zeros((N_ACTIONS,), dtype=jnp.float32)
    return {
        "flat_states": flat_states,
        "flat_actions": flat_actions,
        "flat_log_pf": flat_log_pf,
        "cu_seqlens": cu_seqlens,
        "log_rewards": log_rewards,
        "W_pb": W_pb,
        "b_pb": b_pb,
    }


def reference(flat_states, flat_actions, flat_log_pf, cu_seqlens, log_rewards, W_pb, b_pb):
    """Faithful jax translation of TrajectoryBasedGFlowNet.get_trajectories_scores
    (on-policy path) over a ragged batch of trajectories.

    Valid transitions are stored flat (dummy/padded s_f entries removed);
    cu_seqlens gives per-trajectory boundaries. The pb head is a linear
    projection + log_softmax evaluated on valid states; log P_B of the taken
    action is gathered, exit actions are masked to fill_value=0.0 (the
    masked-scatter in the torch code), and per-trajectory totals are
    segment-sums over ragged segments.
    """
    total = flat_states.shape[0]
    n_traj = log_rewards.shape[0]
    positions = jnp.arange(total)
    # segment id of each token: cu_seqlens[i] <= t < cu_seqlens[i+1]
    segment_ids = jnp.searchsorted(cu_seqlens, positions, side="right") - 1
    # the last valid action of each trajectory is the exit action
    is_exit = positions == (cu_seqlens[segment_ids + 1] - 1)

    # pb estimator: logits over actions, log_softmax, gather taken action
    logits = flat_states @ W_pb + b_pb
    log_pb_all = jax.nn.log_softmax(logits, axis=-1)
    gathered = jnp.take_along_axis(log_pb_all, flat_actions[:, None], axis=1)[:, 0]
    # fill_value=0.0 at exit-action positions (masked scatter in torch)
    log_pb_masked = jnp.where(is_exit, 0.0, gathered)

    # sum over trajectory dim (dim=0 in padded torch layout) == ragged segment sum
    total_log_pf = jax.ops.segment_sum(flat_log_pf, segment_ids, num_segments=n_traj)
    total_log_pb = jax.ops.segment_sum(log_pb_masked, segment_ids, num_segments=n_traj)

    log_rewards_c = jnp.maximum(log_rewards, LOG_REWARD_CLIP_MIN)
    scores = total_log_pf - total_log_pb - log_rewards_c
    return (total_log_pf, total_log_pb, scores)

if __name__ == "__main__":
    import jax
    _d = setup_inputs()
    print(jax.jit(kernel)(*tuple(_d.values())))

</pallas_src>

<mosaic_0001>
#map = affine_map<(d0, d1) -> (0)>
module attributes {stable_mosaic.version = 14 : i64} {
  func.func @_sc_kernel(%arg0: i32, %arg1: i32, %arg2: memref<32768xf32, #tpu.memory_space<hbm>>, %arg3: memref<256xi32, #tpu.memory_space<hbm>>, %arg4: memref<16xf32, #tpu.memory_space<hbm>>, %arg5: memref<2048xf32, #tpu.memory_space<vmem>>, %arg6: memref<256xi32, #tpu.memory_space<vmem>>, %arg7: memref<16xf32, #tpu.memory_space<vmem>>, %arg8: memref<256xf32, #tpu.memory_space<vmem>>, %arg9: memref<16xf32, #tpu.memory_space<vmem>>, %arg10: memref<256xf32, #tpu.memory_space<vmem_shared>>, %arg11: memref<!tpu.dma_semaphore, #tpu.memory_space<semaphore_mem>>) attributes {dimension_semantics = [#tpu.dimension_semantics<core_parallel>, #tpu.dimension_semantics<subcore_parallel>], iteration_bounds = array<i64: 1, 16>, scalar_prefetch = 0 : i64, scratch_operands = 7 : i64, tpu.core_type = #tpu.core_type<sc_vector_subcore>, window_params = [{transform_indices = #map}, {transform_indices = #map}, {transform_indices = #map}]} {
    %mul3A = arith.constant 2048 : i32
    %mul3A_0 = arith.muli %arg1, %mul3A : i32
    %dma_start3A = tpu.memref_slice %arg2[%mul3A_0] : memref<32768xf32, #tpu.memory_space<hbm>> -> memref<2048xf32, #tpu.memory_space<hbm>>
    %dma_start3A_1 = tpu.memref_slice %arg2[%mul3A_0] : memref<32768xf32, #tpu.memory_space<hbm>> -> memref<2048xf32, #tpu.memory_space<hbm>>
    tpu.enqueue_dma source(%dma_start3A_1 : memref<2048xf32, #tpu.memory_space<hbm>>) target(%arg5 : memref<2048xf32, #tpu.memory_space<vmem>>) target_semaphore(%arg11 : memref<!tpu.dma_semaphore, #tpu.memory_space<semaphore_mem>>)
    tpu.enqueue_dma source(%arg3 : memref<256xi32, #tpu.memory_space<hbm>>) target(%arg6 : memref<256xi32, #tpu.memory_space<vmem>>) target_semaphore(%arg11 : memref<!tpu.dma_semaphore, #tpu.memory_space<semaphore_mem>>)
    %dma_wait3A = tpu.memref_slice %arg2[%mul3A_0] : memref<32768xf32, #tpu.memory_space<hbm>> -> memref<2048xf32, #tpu.memory_space<hbm>>
    %dma_wait3A_2 = tpu.memref_slice %arg2[%mul3A_0] : memref<32768xf32, #tpu.memory_space<hbm>> -> memref<2048xf32, #tpu.memory_space<hbm>>
    tpu.wait_dma2 semaphore(%arg11 : memref<!tpu.dma_semaphore, #tpu.memory_space<semaphore_mem>>) src(%dma_wait3A_2 : memref<2048xf32, #tpu.memory_space<hbm>>) dst(%arg5 : memref<2048xf32, #tpu.memory_space<vmem>>)
    tpu.wait_dma2 semaphore(%arg11 : memref<!tpu.dma_semaphore, #tpu.memory_space<semaphore_mem>>) src(%arg3 : memref<256xi32, #tpu.memory_space<hbm>>) dst(%arg6 : memref<256xi32, #tpu.memory_space<vmem>>)
    %iota3A = tpu.iota {dimensions = array<i32: 0>} : vector<16xi32>
    %broadcast_in_dim3A = arith.constant 0.000000e+00 : f32
    %broadcast_in_dim3A_3 = vector.broadcast %broadcast_in_dim3A : f32 to vector<16xf32>
    %get3A = arith.constant 0 : index
    %get3A_4 = tpu.vector_load %arg6[%get3A] {strides = array<i32>} : memref<256xi32, #tpu.memory_space<vmem>>, vector<16xi32>,
    %get3A_5 = vector.shape_cast %get3A_4 : vector<16xi32> to vector<16xi32>
    %get3A_6 = arith.constant 16 : index
    %get3A_7 = tpu.vector_load %arg6[%get3A_6] {strides = array<i32>} : memref<256xi32, #tpu.memory_space<vmem>>, vector<16xi32>,
    %get3A_8 = vector.shape_cast %get3A_7 : vector<16xi32> to vector<16xi32>
    %get3A_9 = arith.constant 32 : index
    %get3A_10 = tpu.vector_load %arg6[%get3A_9] {strides = array<i32>} : memref<256xi32, #tpu.memory_space<vmem>>, vector<16xi32>,
    %get3A_11 = vector.shape_cast %get3A_10 : vector<16xi32> to vector<16xi32>
    %get3A_12 = arith.constant 48 : index
    %get3A_13 = tpu.vector_load %arg6[%get3A_12] {strides = array<i32>} : memref<256xi32, #tpu.memory_space<vmem>>, vector<16xi32>,
    %get3A_14 = vector.shape_cast %get3A_13 : vector<16xi32> to vector<16xi32>
    %get3A_15 = arith.constant 64 : index
    %get3A_16 = tpu.vector_load %arg6[%get3A_15] {strides = array<i32>} : memref<256xi32, #tpu.memory_space<vmem>>, vector<16xi32>,
    %get3A_17 = vector.shape_cast %get3A_16 : vector<16xi32> to vector<16xi32>
    %get3A_18 = arith.constant 80 : index
    %get3A_19 = tpu.vector_load %arg6[%get3A_18] {strides = array<i32>} : memref<256xi32, #tpu.memory_space<vmem>>, vector<16xi32>,
    %get3A_20 = vector.shape_cast %get3A_19 : vector<16xi32> to vector<16xi32>
    %get3A_21 = arith.constant 96 : index
    %get3A_22 = tpu.vector_load %arg6[%get3A_21] {strides = array<i32>} : memref<256xi32, #tpu.memory_space<vmem>>, vector<16xi32>,
    %get3A_23 = vector.shape_cast %get3A_22 : vector<16xi32> to vector<16xi32>
    %get3A_24 = arith.constant 112 : index
    %get3A_25 = tpu.vector_load %arg6[%get3A_24] {strides = array<i32>} : memref<256xi32, #tpu.memory_space<vmem>>, vector<16xi32>,
    %get3A_26 = vector.shape_cast %get3A_25 : vector<16xi32> to vector<16xi32>
    %get3A_27 = arith.constant 128 : index
    %get3A_28 = tpu.vector_load %arg6[%get3A_27] {strides = array<i32>} : memref<256xi32, #tpu.memory_space<vmem>>, vector<16xi32>,
    %get3A_29 = vector.shape_cast %get3A_28 : vector<16xi32> to vector<16xi32>
    %get3A_30 = arith.constant 144 : index
    %get3A_31 = tpu.vector_load %arg6[%get3A_30] {strides = array<i32>} : memref<256xi32, #tpu.memory_space<vmem>>, vector<16xi32>,
    %get3A_32 = vector.shape_cast %get3A_31 : vector<16xi32> to vector<16xi32>
    %get3A_33 = arith.constant 160 : index
    %get3A_34 = tpu.vector_load %arg6[%get3A_33] {strides = array<i32>} : memref<256xi32, #tpu.memory_space<vmem>>, vector<16xi32>,
    %get3A_35 = vector.shape_cast %get3A_34 : vector<16xi32> to vector<16xi32>
    %get3A_36 = arith.constant 176 : index
    %get3A_37 = tpu.vector_load %arg6[%get3A_36] {strides = array<i32>} : memref<256xi32, #tpu.memory_space<vmem>>, vector<16xi32>,
    %get3A_38 = vector.shape_cast %get3A_37 : vector<16xi32> to vector<16xi32>
    %get3A_39 = arith.constant 192 : index
    %get3A_40 = tpu.vector_load %arg6[%get3A_39] {strides = array<i32>} : memref<256xi32, #tpu.memory_space<vmem>>, vector<16xi32>,
    %get3A_41 = vector.shape_cast %get3A_40 : vector<16xi32> to vector<16xi32>
    %get3A_42 = arith.constant 208 : index
    %get3A_43 = tpu.vector_load %arg6[%get3A_42] {strides = array<i32>} : memref<256xi32, #tpu.memory_space<vmem>>, vector<16xi32>,
    %get3A_44 = vector.shape_cast %get3A_43 : vector<16xi32> to vector<16xi32>
    %get3A_45 = arith.constant 224 : index
    %get3A_46 = tpu.vector_load %arg6[%get3A_45] {strides = array<i32>} : memref<256xi32, #tpu.memory_space<vmem>>, vector<16xi32>,
    %get3A_47 = vector.shape_cast %get3A_46 : vector<16xi32> to vector<16xi32>
    %get3A_48 = arith.constant 240 : index
    %get3A_49 = tpu.vector_load %arg6[%get3A_48] {strides = array<i32>} : memref<256xi32, #tpu.memory_space<vmem>>, vector<16xi32>,
    %get3A_50 = vector.shape_cast %get3A_49 : vector<16xi32> to vector<16xi32>
    %scan3A = arith.constant 0 : i32
    %scan3A_51 = arith.constant 64 : i32
    %scan3A_52 = arith.addi %scan3A, %scan3A_51 : i32
    %scan3A_53 = arith.constant 1 : i32
    %scan3A_54:16 = scf.for %scan3A_810 = %scan3A to %scan3A_52 step %scan3A_53 iter_args(%scan3A_811 = %broadcast_in_dim3A_3, %scan3A_812 = %broadcast_in_dim3A_3, %scan3A_813 = %broadcast_in_dim3A_3, %scan3A_814 = %broadcast_in_dim3A_3, %scan3A_815 = %broadcast_in_dim3A_3, %scan3A_816 = %broadcast_in_dim3A_3, %scan3A_817 = %broadcast_in_dim3A_3, %scan3A_818 = %broadcast_in_dim3A_3, %scan3A_819 = %broadcast_in_dim3A_3, %scan3A_820 = %broadcast_in_dim3A_3, %scan3A_821 = %broadcast_in_dim3A_3, %scan3A_822 = %broadcast_in_dim3A_3, %scan3A_823 = %broadcast_in_dim3A_3, %scan3A_824 = %broadcast_in_dim3A_3, %scan3A_825 = %broadcast_in_dim3A_3, %scan3A_826 = %broadcast_in_dim3A_3) -> (vector<16xf32>, vector<16xf32>, vector<16xf32>, vector<16xf32>, vector<16xf32>, vector<16xf32>, vector<16xf32>, vector<16xf32>, vector<16xf32>, vector<16xf32>, vector<16xf32>, vector<16xf32>, vector<16xf32>, vector<16xf32>, vector<16xf32>, vector<16xf32>)  : i32 {
      %mul3A_827 = arith.constant 2 : i32
      %mul3A_828 = arith.muli %mul3A_827, %scan3A_810 : i32
      %mul3A_829 = arith.constant 16 : i32
      %mul3A_830 = arith.muli %mul3A_828, %mul3A_829 : i32
      %add3A_831 = arith.addi %mul3A_0, %mul3A_830 : i32
      %add3A_832 = vector.broadcast %add3A_831 : i32 to vector<16xi32>
      %add3A_833 = arith.addi %add3A_832, %iota3A : vector<16xi32>
      %mul3A_834 = arith.constant 2 : i32
      %mul3A_835 = arith.muli %mul3A_834, %scan3A_810 : i32
      %mul3A_836 = arith.constant 16 : i32
      %mul3A_837 = arith.muli %mul3A_835, %mul3A_836 : i32
      %get3A_838 = arith.index_cast %mul3A_837 : i32 to index
      %get3A_839 = tpu.vector_load %arg5[%get3A_838] {strides = array<i32>} : memref<2048xf32, #tpu.memory_space<vmem>>, vector<16xf32>,
      %get3A_840 = vector.shape_cast %get3A_839 : vector<16xf32> to vector<16xf32>
      %lt3A = arith.cmpi slt, %add3A_833, %get3A_5 : vector<16xi32>
      %jit3A_841 = arith.constant 0.000000e+00 : f32
      %broadcast_in_dim3A_842 = vector.broadcast %jit3A_841 : f32 to vector<16xf32>
      %select_n3A_843 = arith.select %lt3A, %get3A_840, %broadcast_in_dim3A_842 : vector<16xi1>, vector<16xf32>
      %add3A_844 = arith.addf %scan3A_811, %select_n3A_843 : vector<16xf32>
      %lt3A_845 = arith.cmpi slt, %add3A_833, %get3A_8 : vector<16xi32>
      %xor3A = arith.xori %lt3A_845, %lt3A : vector<16xi1>
      %jit3A_846 = arith.constant 0.000000e+00 : f32
      %broadcast_in_dim3A_847 = vector.broadcast %jit3A_846 : f32 to vector<16xf32>
      %select_n3A_848 = arith.select %xor3A, %get3A_840, %broadcast_in_dim3A_847 : vector<16xi1>, vector<16xf32>
      %add3A_849 = arith.addf %scan3A_812, %select_n3A_848 : vector<16xf32>
      %lt3A_850 = arith.cmpi slt, %add3A_833, %get3A_11 : vector<16xi32>
      %xor3A_851 = arith.xori %lt3A_850, %lt3A_845 : vector<16xi1>
      %jit3A_852 = arith.constant 0.000000e+00 : f32
      %broadcast_in_dim3A_853 = vector.broadcast %jit3A_852 : f32 to vector<16xf32>
      %select_n3A_854 = arith.select %xor3A_851, %get3A_840, %broadcast_in_dim3A_853 : vector<16xi1>, vector<16xf32>
      %add3A_855 = arith.addf %scan3A_813, %select_n3A_854 : vector<16xf32>
      %lt3A_856 = arith.cmpi slt, %add3A_833, %get3A_14 : vector<16xi32>
      %xor3A_857 = arith.xori %lt3A_856, %lt3A_850 : vector<16xi1>
      %jit3A_858 = arith.constant 0.000000e+00 : f32
      %broadcast_in_dim3A_859 = vector.broadcast %jit3A_858 : f32 to vector<16xf32>
      %select_n3A_860 = arith.select %xor3A_857, %get3A_840, %broadcast_in_dim3A_859 : vector<16xi1>, vector<16xf32>
      %add3A_861 = arith.addf %scan3A_814, %select_n3A_860 : vector<16xf32>
      %lt3A_862 = arith.cmpi slt, %add3A_833, %get3A_17 : vector<16xi32>
      %xor3A_863 = arith.xori %lt3A_862, %lt3A_856 : vector<16xi1>
      %jit3A_864 = arith.constant 0.000000e+00 : f32
      %broadcast_in_dim3A_865 = vector.broadcast %jit3A_864 : f32 to vector<16xf32>
      %select_n3A_866 = arith.select %xor3A_863, %get3A_840, %broadcast_in_dim3A_865 : vector<16xi1>, vector<16xf32>
      %add3A_867 = arith.addf %scan3A_815, %select_n3A_866 : vector<16xf32>
      %lt3A_868 = arith.cmpi slt, %add3A_833, %get3A_20 : vector<16xi32>
      %xor3A_869 = arith.xori %lt3A_868, %lt3A_862 : vector<16xi1>
      %jit3A_870 = arith.constant 0.000000e+00 : f32
      %broadcast_in_dim3A_871 = vector.broadcast %jit3A_870 : f32 to vector<16xf32>
      %select_n3A_872 = arith.select %xor3A_869, %get3A_840, %broadcast_in_dim3A_871 : vector<16xi1>, vector<16xf32>
      %add3A_873 = arith.addf %scan3A_816, %select_n3A_872 : vector<16xf32>
      %lt3A_874 = arith.cmpi slt, %add3A_833, %get3A_23 : vector<16xi32>
      %xor3A_875 = arith.xori %lt3A_874, %lt3A_868 : vector<16xi1>
      %jit3A_876 = arith.constant 0.000000e+00 : f32
      %broadcast_in_dim3A_877 = vector.broadcast %jit3A_876 : f32 to vector<16xf32>
      %select_n3A_878 = arith.select %xor3A_875, %get3A_840, %broadcast_in_dim3A_877 : vector<16xi1>, vector<16xf32>
      %add3A_879 = arith.addf %scan3A_817, %select_n3A_878 : vector<16xf32>
      %lt3A_880 = arith.cmpi slt, %add3A_833, %get3A_26 : vector<16xi32>
      %xor3A_881 = arith.xori %lt3A_880, %lt3A_874 : vector<16xi1>
      %jit3A_882 = arith.constant 0.000000e+00 : f32
      %broadcast_in_dim3A_883 = vector.broadcast %jit3A_882 : f32 to vector<16xf32>
      %select_n3A_884 = arith.select %xor3A_881, %get3A_840, %broadcast_in_dim3A_883 : vector<16xi1>, vector<16xf32>
      %add3A_885 = arith.addf %scan3A_818, %select_n3A_884 : vector<16xf32>
      %lt3A_886 = arith.cmpi slt, %add3A_833, %get3A_29 : vector<16xi32>
      %xor3A_887 = arith.xori %lt3A_886, %lt3A_880 : vector<16xi1>
      %jit3A_888 = arith.constant 0.000000e+00 : f32
      %broadcast_in_dim3A_889 = vector.broadcast %jit3A_888 : f32 to vector<16xf32>
      %select_n3A_890 = arith.select %xor3A_887, %get3A_840, %broadcast_in_dim3A_889 : vector<16xi1>, vector<16xf32>
      %add3A_891 = arith.addf %scan3A_819, %select_n3A_890 : vector<16xf32>
      %lt3A_892 = arith.cmpi slt, %add3A_833, %get3A_32 : vector<16xi32>
      %xor3A_893 = arith.xori %lt3A_892, %lt3A_886 : vector<16xi1>
      %jit3A_894 = arith.constant 0.000000e+00 : f32
      %broadcast_in_dim3A_895 = vector.broadcast %jit3A_894 : f32 to vector<16xf32>
      %select_n3A_896 = arith.select %xor3A_893, %get3A_840, %broadcast_in_dim3A_895 : vector<16xi1>, vector<16xf32>
      %add3A_897 = arith.addf %scan3A_820, %select_n3A_896 : vector<16xf32>
      %lt3A_898 = arith.cmpi slt, %add3A_833, %get3A_35 : vector<16xi32>
      %xor3A_899 = arith.xori %lt3A_898, %lt3A_892 : vector<16xi1>
      %jit3A_900 = arith.constant 0.000000e+00 : f32
      %broadcast_in_dim3A_901 = vector.broadcast %jit3A_900 : f32 to vector<16xf32>
      %select_n3A_902 = arith.select %xor3A_899, %get3A_840, %broadcast_in_dim3A_901 : vector<16xi1>, vector<16xf32>
      %add3A_903 = arith.addf %scan3A_821, %select_n3A_902 : vector<16xf32>
      %lt3A_904 = arith.cmpi slt, %add3A_833, %get3A_38 : vector<16xi32>
      %xor3A_905 = arith.xori %lt3A_904, %lt3A_898 : vector<16xi1>
      %jit3A_906 = arith.constant 0.000000e+00 : f32
      %broadcast_in_dim3A_907 = vector.broadcast %jit3A_906 : f32 to vector<16xf32>
      %select_n3A_908 = arith.select %xor3A_905, %get3A_840, %broadcast_in_dim3A_907 : vector<16xi1>, vector<16xf32>
      %add3A_909 = arith.addf %scan3A_822, %select_n3A_908 : vector<16xf32>
      %lt3A_910 = arith.cmpi slt, %add3A_833, %get3A_41 : vector<16xi32>
      %xor3A_911 = arith.xori %lt3A_910, %lt3A_904 : vector<16xi1>
      %jit3A_912 = arith.constant 0.000000e+00 : f32
      %broadcast_in_dim3A_913 = vector.broadcast %jit3A_912 : f32 to vector<16xf32>
      %select_n3A_914 = arith.select %xor3A_911, %get3A_840, %broadcast_in_dim3A_913 : vector<16xi1>, vector<16xf32>
      %add3A_915 = arith.addf %scan3A_823, %select_n3A_914 : vector<16xf32>
      %lt3A_916 = arith.cmpi slt, %add3A_833, %get3A_44 : vector<16xi32>
      %xor3A_917 = arith.xori %lt3A_916, %lt3A_910 : vector<16xi1>
      %jit3A_918 = arith.constant 0.000000e+00 : f32
      %broadcast_in_dim3A_919 = vector.broadcast %jit3A_918 : f32 to vector<16xf32>
      %select_n3A_920 = arith.select %xor3A_917, %get3A_840, %broadcast_in_dim3A_919 : vector<16xi1>, vector<16xf32>
      %add3A_921 = arith.addf %scan3A_824, %select_n3A_920 : vector<16xf32>
      %lt3A_922 = arith.cmpi slt, %add3A_833, %get3A_47 : vector<16xi32>
      %xor3A_923 = arith.xori %lt3A_922, %lt3A_916 : vector<16xi1>
      %jit3A_924 = arith.constant 0.000000e+00 : f32
      %broadcast_in_dim3A_925 = vector.broadcast %jit3A_924 : f32 to vector<16xf32>
      %select_n3A_926 = arith.select %xor3A_923, %get3A_840, %broadcast_in_dim3A_925 : vector<16xi1>, vector<16xf32>
      %add3A_927 = arith.addf %scan3A_825, %select_n3A_926 : vector<16xf32>
      %lt3A_928 = arith.cmpi slt, %add3A_833, %get3A_50 : vector<16xi32>
      %xor3A_929 = arith.xori %lt3A_928, %lt3A_922 : vector<16xi1>
      %jit3A_930 = arith.constant 0.000000e+00 : f32
      %broadcast_in_dim3A_931 = vector.broadcast %jit3A_930 : f32 to vector<16xf32>
      %select_n3A_932 = arith.select %xor3A_929, %get3A_840, %broadcast_in_dim3A_931 : vector<16xi1>, vector<16xf32>
      %add3A_933 = arith.addf %scan3A_826, %select_n3A_932 : vector<16xf32>
      %mul3A_934 = arith.constant 2 : i32
      %mul3A_935 = arith.muli %mul3A_934, %scan3A_810 : i32
      %add3A_936 = arith.constant 1 : i32
      %add3A_937 = arith.addi %mul3A_935, %add3A_936 : i32
      %mul3A_938 = arith.constant 16 : i32
      %mul3A_939 = arith.muli %add3A_937, %mul3A_938 : i32
      %get3A_940 = arith.index_cast %mul3A_939 : i32 to index
      %get3A_941 = tpu.vector_load %arg5[%get3A_940] {strides = array<i32>} : memref<2048xf32, #tpu.memory_space<vmem>>, vector<16xf32>,
      %get3A_942 = vector.shape_cast %get3A_941 : vector<16xf32> to vector<16xf32>
      %add3A_943 = arith.constant 16 : i32
      %add3A_944 = vector.broadcast %add3A_943 : i32 to vector<16xi32>
      %add3A_945 = arith.addi %add3A_833, %add3A_944 : vector<16xi32>
      %lt3A_946 = arith.cmpi slt, %add3A_945, %get3A_5 : vector<16xi32>
      %jit3A_947 = arith.constant 0.000000e+00 : f32
      %broadcast_in_dim3A_948 = vector.broadcast %jit3A_947 : f32 to vector<16xf32>
      %select_n3A_949 = arith.select %lt3A_946, %get3A_942, %broadcast_in_dim3A_948 : vector<16xi1>, vector<16xf32>
      %add3A_950 = arith.addf %add3A_844, %select_n3A_949 : vector<16xf32>
      %lt3A_951 = arith.cmpi slt, %add3A_945, %get3A_8 : vector<16xi32>
      %xor3A_952 = arith.xori %lt3A_951, %lt3A_946 : vector<16xi1>
      %jit3A_953 = arith.constant 0.000000e+00 : f32
      %broadcast_in_dim3A_954 = vector.broadcast %jit3A_953 : f32 to vector<16xf32>
      %select_n3A_955 = arith.select %xor3A_952, %get3A_942, %broadcast_in_dim3A_954 : vector<16xi1>, vector<16xf32>
      %add3A_956 = arith.addf %add3A_849, %select_n3A_955 : vector<16xf32>
      %lt3A_957 = arith.cmpi slt, %add3A_945, %get3A_11 : vector<16xi32>
      %xor3A_958 = arith.xori %lt3A_957, %lt3A_951 : vector<16xi1>
      %jit3A_959 = arith.constant 0.000000e+00 : f32
      %broadcast_in_dim3A_960 = vector.broadcast %jit3A_959 : f32 to vector<16xf32>
      %select_n3A_961 = arith.select %xor3A_958, %get3A_942, %broadcast_in_dim3A_960 : vector<16xi1>, vector<16xf32>
      %add3A_962 = arith.addf %add3A_855, %select_n3A_961 : vector<16xf32>
      %lt3A_963 = arith.cmpi slt, %add3A_945, %get3A_14 : vector<16xi32>
      %xor3A_964 = arith.xori %lt3A_963, %lt3A_957 : vector<16xi1>
      %jit3A_965 = arith.constant 0.000000e+00 : f32
      %broadcast_in_dim3A_966 = vector.broadcast %jit3A_965 : f32 to vector<16xf32>
      %select_n3A_967 = arith.select %xor3A_964, %get3A_942, %broadcast_in_dim3A_966 : vector<16xi1>, vector<16xf32>
      %add3A_968 = arith.addf %add3A_861, %select_n3A_967 : vector<16xf32>
      %lt3A_969 = arith.cmpi slt, %add3A_945, %get3A_17 : vector<16xi32>
      %xor3A_970 = arith.xori %lt3A_969, %lt3A_963 : vector<16xi1>
      %jit3A_971 = arith.constant 0.000000e+00 : f32
      %broadcast_in_dim3A_972 = vector.broadcast %jit3A_971 : f32 to vector<16xf32>
      %select_n3A_973 = arith.select %xor3A_970, %get3A_942, %broadcast_in_dim3A_972 : vector<16xi1>, vector<16xf32>
      %add3A_974 = arith.addf %add3A_867, %select_n3A_973 : vector<16xf32>
      %lt3A_975 = arith.cmpi slt, %add3A_945, %get3A_20 : vector<16xi32>
      %xor3A_976 = arith.xori %lt3A_975, %lt3A_969 : vector<16xi1>
      %jit3A_977 = arith.constant 0.000000e+00 : f32
      %broadcast_in_dim3A_978 = vector.broadcast %jit3A_977 : f32 to vector<16xf32>
      %select_n3A_979 = arith.select %xor3A_976, %get3A_942, %broadcast_in_dim3A_978 : vector<16xi1>, vector<16xf32>
      %add3A_980 = arith.addf %add3A_873, %select_n3A_979 : vector<16xf32>
      %lt3A_981 = arith.cmpi slt, %add3A_945, %get3A_23 : vector<16xi32>
      %xor3A_982 = arith.xori %lt3A_981, %lt3A_975 : vector<16xi1>
      %jit3A_983 = arith.constant 0.000000e+00 : f32
      %broadcast_in_dim3A_984 = vector.broadcast %jit3A_983 : f32 to vector<16xf32>
      %select_n3A_985 = arith.select %xor3A_982, %get3A_942, %broadcast_in_dim3A_984 : vector<16xi1>, vector<16xf32>
      %add3A_986 = arith.addf %add3A_879, %select_n3A_985 : vector<16xf32>
      %lt3A_987 = arith.cmpi slt, %add3A_945, %get3A_26 : vector<16xi32>
      %xor3A_988 = arith.xori %lt3A_987, %lt3A_981 : vector<16xi1>
      %jit3A_989 = arith.constant 0.000000e+00 : f32
      %broadcast_in_dim3A_990 = vector.broadcast %jit3A_989 : f32 to vector<16xf32>
      %select_n3A_991 = arith.select %xor3A_988, %get3A_942, %broadcast_in_dim3A_990 : vector<16xi1>, vector<16xf32>
      %add3A_992 = arith.addf %add3A_885, %select_n3A_991 : vector<16xf32>
      %lt3A_993 = arith.cmpi slt, %add3A_945, %get3A_29 : vector<16xi32>
      %xor3A_994 = arith.xori %lt3A_993, %lt3A_987 : vector<16xi1>
      %jit3A_995 = arith.constant 0.000000e+00 : f32
      %broadcast_in_dim3A_996 = vector.broadcast %jit3A_995 : f32 to vector<16xf32>
      %select_n3A_997 = arith.select %xor3A_994, %get3A_942, %broadcast_in_dim3A_996 : vector<16xi1>, vector<16xf32>
      %add3A_998 = arith.addf %add3A_891, %select_n3A_997 : vector<16xf32>
      %lt3A_999 = arith.cmpi slt, %add3A_945, %get3A_32 : vector<16xi32>
      %xor3A_1000 = arith.xori %lt3A_999, %lt3A_993 : vector<16xi1>
      %jit3A_1001 = arith.constant 0.000000e+00 : f32
      %broadcast_in_dim3A_1002 = vector.broadcast %jit3A_1001 : f32 to vector<16xf32>
      %select_n3A_1003 = arith.select %xor3A_1000, %get3A_942, %broadcast_in_dim3A_1002 : vector<16xi1>, vector<16xf32>
      %add3A_1004 = arith.addf %add3A_897, %select_n3A_1003 : vector<16xf32>
      %lt3A_1005 = arith.cmpi slt, %add3A_945, %get3A_35 : vector<16xi32>
      %xor3A_1006 = arith.xori %lt3A_1005, %lt3A_999 : vector<16xi1>
      %jit3A_1007 = arith.constant 0.000000e+00 : f32
      %broadcast_in_dim3A_1008 = vector.broadcast %jit3A_1007 : f32 to vector<16xf32>
      %select_n3A_1009 = arith.select %xor3A_1006, %get3A_942, %broadcast_in_dim3A_1008 : vector<16xi1>, vector<16xf32>
      %add3A_1010 = arith.addf %add3A_903, %select_n3A_1009 : vector<16xf32>
      %lt3A_1011 = arith.cmpi slt, %add3A_945, %get3A_38 : vector<16xi32>
      %xor3A_1012 = arith.xori %lt3A_1011, %lt3A_1005 : vector<16xi1>
      %jit3A_1013 = arith.constant 0.000000e+00 : f32
      %broadcast_in_dim3A_1014 = vector.broadcast %jit3A_1013 : f32 to vector<16xf32>
      %select_n3A_1015 = arith.select %xor3A_1012, %get3A_942, %broadcast_in_dim3A_1014 : vector<16xi1>, vector<16xf32>
      %add3A_1016 = arith.addf %add3A_909, %select_n3A_1015 : vector<16xf32>
      %lt3A_1017 = arith.cmpi slt, %add3A_945, %get3A_41 : vector<16xi32>
      %xor3A_1018 = arith.xori %lt3A_1017, %lt3A_1011 : vector<16xi1>
      %jit3A_1019 = arith.constant 0.000000e+00 : f32
      %broadcast_in_dim3A_1020 = vector.broadcast %jit3A_1019 : f32 to vector<16xf32>
      %select_n3A_1021 = arith.select %xor3A_1018, %get3A_942, %broadcast_in_dim3A_1020 : vector<16xi1>, vector<16xf32>
      %add3A_1022 = arith.addf %add3A_915, %select_n3A_1021 : vector<16xf32>
      %lt3A_1023 = arith.cmpi slt, %add3A_945, %get3A_44 : vector<16xi32>
      %xor3A_1024 = arith.xori %lt3A_1023, %lt3A_1017 : vector<16xi1>
      %jit3A_1025 = arith.constant 0.000000e+00 : f32
      %broadcast_in_dim3A_1026 = vector.broadcast %jit3A_1025 : f32 to vector<16xf32>
      %select_n3A_1027 = arith.select %xor3A_1024, %get3A_942, %broadcast_in_dim3A_1026 : vector<16xi1>, vector<16xf32>
      %add3A_1028 = arith.addf %add3A_921, %select_n3A_1027 : vector<16xf32>
      %lt3A_1029 = arith.cmpi slt, %add3A_945, %get3A_47 : vector<16xi32>
      %xor3A_1030 = arith.xori %lt3A_1029, %lt3A_1023 : vector<16xi1>
      %jit3A_1031 = arith.constant 0.000000e+00 : f32
      %broadcast_in_dim3A_1032 = vector.broadcast %jit3A_1031 : f32 to vector<16xf32>
      %select_n3A_1033 = arith.select %xor3A_1030, %get3A_942, %broadcast_in_dim3A_1032 : vector<16xi1>, vector<16xf32>
      %add3A_1034 = arith.addf %add3A_927, %select_n3A_1033 : vector<16xf32>
      %lt3A_1035 = arith.cmpi slt, %add3A_945, %get3A_50 : vector<16xi32>
      %xor3A_1036 = arith.xori %lt3A_1035, %lt3A_1029 : vector<16xi1>
      %jit3A_1037 = arith.constant 0.000000e+00 : f32
      %broadcast_in_dim3A_1038 = vector.broadcast %jit3A_1037 : f32 to vector<16xf32>
      %select_n3A_1039 = arith.select %xor3A_1036, %get3A_942, %broadcast_in_dim3A_1038 : vector<16xi1>, vector<16xf32>
      %add3A_1040 = arith.addf %add3A_933, %select_n3A_1039 : vector<16xf32>
      scf.yield %add3A_950, %add3A_956, %add3A_962, %add3A_968, %add3A_974, %add3A_980, %add3A_986, %add3A_992, %add3A_998, %add3A_1004, %add3A_1010, %add3A_1016, %add3A_1022, %add3A_1028, %add3A_1034, %add3A_1040 : vector<16xf32>, vector<16xf32>, vector<16xf32>, vector<16xf32>, vector<16xf32>, vector<16xf32>, vector<16xf32>, vector<16xf32>, vector<16xf32>, vector<16xf32>, vector<16xf32>, vector<16xf32>, vector<16xf32>, vector<16xf32>, vector<16xf32>, vector<16xf32>
    }
    %scan3A_55 = arith.constant 64 : i32
    %eq3A = arith.constant 0 : i32
    %eq3A_56 = vector.broadcast %eq3A : i32 to vector<16xi32>
    %eq3A_57 = arith.cmpi eq, %iota3A, %eq3A_56 : vector<16xi32>
    %add3A = arith.constant 8 : i32
    %add3A_58 = vector.broadcast %add3A : i32 to vector<16xi32>
    %add3A_59 = arith.addi %iota3A, %add3A_58 : vector<16xi32>
    %and3A = arith.constant 15 : i32
    %and3A_60 = vector.broadcast %and3A : i32 to vector<16xi32>
    %and3A_61 = arith.andi %add3A_59, %and3A_60 : vector<16xi32>
    %broadcast_in_dim3A_62 = vector.shape_cast %and3A_61 : vector<16xi32> to vector<16x1xi32>
    %gather3A = vector.shape_cast %broadcast_in_dim3A_62 : vector<16x1xi32> to vector<16xi32>
    %gather3A_63 = tpu.dynamic_gather %scan3A_54#0[%gather3A] in [0] : vector<16xf32>, vector<16xi32> -> vector<16xf32>
    %add3A_64 = arith.addf %scan3A_54#0, %gather3A_63 : vector<16xf32>
    %add3A_65 = arith.constant 4 : i32
    %add3A_66 = vector.broadcast %add3A_65 : i32 to vector<16xi32>
    %add3A_67 = arith.addi %iota3A, %add3A_66 : vector<16xi32>
    %and3A_68 = arith.constant 15 : i32
    %and3A_69 = vector.broadcast %and3A_68 : i32 to vector<16xi32>
    %and3A_70 = arith.andi %add3A_67, %and3A_69 : vector<16xi32>
    %broadcast_in_dim3A_71 = vector.shape_cast %and3A_70 : vector<16xi32> to vector<16x1xi32>
    %gather3A_72 = vector.shape_cast %broadcast_in_dim3A_71 : vector<16x1xi32> to vector<16xi32>
    %gather3A_73 = tpu.dynamic_gather %add3A_64[%gather3A_72] in [0] : vector<16xf32>, vector<16xi32> -> vector<16xf32>
    %add3A_74 = arith.addf %add3A_64, %gather3A_73 : vector<16xf32>
    %add3A_75 = arith.constant 2 : i32
    %add3A_76 = vector.broadcast %add3A_75 : i32 to vector<16xi32>
    %add3A_77 = arith.addi %iota3A, %add3A_76 : vector<16xi32>
    %and3A_78 = arith.constant 15 : i32
    %and3A_79 = vector.broadcast %and3A_78 : i32 to vector<16xi32>
    %and3A_80 = arith.andi %add3A_77, %and3A_79 : vector<16xi32>
    %broadcast_in_dim3A_81 = vector.shape_cast %and3A_80 : vector<16xi32> to vector<16x1xi32>
    %gather3A_82 = vector.shape_cast %broadcast_in_dim3A_81 : vector<16x1xi32> to vector<16xi32>
    %gather3A_83 = tpu.dynamic_gather %add3A_74[%gather3A_82] in [0] : vector<16xf32>, vector<16xi32> -> vector<16xf32>
    %add3A_84 = arith.addf %add3A_74, %gather3A_83 : vector<16xf32>
    %add3A_85 = arith.constant 1 : i32
    %add3A_86 = vector.broadcast %add3A_85 : i32 to vector<16xi32>
    %add3A_87 = arith.addi %iota3A, %add3A_86 : vector<16xi32>
    %and3A_88 = arith.constant 15 : i32
    %and3A_89 = vector.broadcast %and3A_88 : i32 to vector<16xi32>
    %and3A_90 = arith.andi %add3A_87, %and3A_89 : vector<16xi32>
    %broadcast_in_dim3A_91 = vector.shape_cast %and3A_90 : vector<16xi32> to vector<16x1xi32>
    %gather3A_92 = vector.shape_cast %broadcast_in_dim3A_91 : vector<16x1xi32> to vector<16xi32>
    %gather3A_93 = tpu.dynamic_gather %add3A_84[%gather3A_92] in [0] : vector<16xf32>, vector<16xi32> -> vector<16xf32>
    %add3A_94 = arith.addf %add3A_84, %gather3A_93 : vector<16xf32>
    %jit3A = arith.constant 0.000000e+00 : f32
    %broadcast_in_dim3A_95 = vector.broadcast %jit3A : f32 to vector<16xf32>
    %select_n3A = arith.select %eq3A_57, %add3A_94, %broadcast_in_dim3A_95 : vector<16xi1>, vector<16xf32>
    %add3A_96 = arith.addf %broadcast_in_dim3A_3, %select_n3A : vector<16xf32>
    %eq3A_97 = arith.constant 1 : i32
    %eq3A_98 = vector.broadcast %eq3A_97 : i32 to vector<16xi32>
    %eq3A_99 = arith.cmpi eq, %iota3A, %eq3A_98 : vector<16xi32>
    %add3A_100 = arith.constant 8 : i32
    %add3A_101 = vector.broadcast %add3A_100 : i32 to vector<16xi32>
    %add3A_102 = arith.addi %iota3A, %add3A_101 : vector<16xi32>
    %and3A_103 = arith.constant 15 : i32
    %and3A_104 = vector.broadcast %and3A_103 : i32 to vector<16xi32>
    %and3A_105 = arith.andi %add3A_102, %and3A_104 : vector<16xi32>
    %broadcast_in_dim3A_106 = vector.shape_cast %and3A_105 : vector<16xi32> to vector<16x1xi32>
    %gather3A_107 = vector.shape_cast %broadcast_in_dim3A_106 : vector<16x1xi32> to vector<16xi32>
    %gather3A_108 = tpu.dynamic_gather %scan3A_54#1[%gather3A_107] in [0] : vector<16xf32>, vector<16xi32> -> vector<16xf32>
    %add3A_109 = arith.addf %scan3A_54#1, %gather3A_108 : vector<16xf32>
    %add3A_110 = arith.constant 4 : i32
    %add3A_111 = vector.broadcast %add3A_110 : i32 to vector<16xi32>
    %add3A_112 = arith.addi %iota3A, %add3A_111 : vector<16xi32>
    %and3A_113 = arith.constant 15 : i32
    %and3A_114 = vector.broadcast %and3A_113 : i32 to vector<16xi32>
    %and3A_115 = arith.andi %add3A_112, %and3A_114 : vector<16xi32>
    %broadcast_in_dim3A_116 = vector.shape_cast %and3A_115 : vector<16xi32> to vector<16x1xi32>
    %gather3A_117 = vector.shape_cast %broadcast_in_dim3A_116 : vector<16x1xi32> to vector<16xi32>
    %gather3A_118 = tpu.dynamic_gather %add3A_109[%gather3A_117] in [0] : vector<16xf32>, vector<16xi32> -> vector<16xf32>
    %add3A_119 = arith.addf %add3A_109, %gather3A_118 : vector<16xf32>
    %add3A_120 = arith.constant 2 : i32
    %add3A_121 = vector.broadcast %add3A_120 : i32 to vector<16xi32>
    %add3A_122 = arith.addi %iota3A, %add3A_121 : vector<16xi32>
    %and3A_123 = arith.constant 15 : i32
    %and3A_124 = vector.broadcast %and3A_123 : i32 to vector<16xi32>
    %and3A_125 = arith.andi %add3A_122, %and3A_124 : vector<16xi32>
    %broadcast_in_dim3A_126 = vector.shape_cast %and3A_125 : vector<16xi32> to vector<16x1xi32>
    %gather3A_127 = vector.shape_cast %broadcast_in_dim3A_126 : vector<16x1xi32> to vector<16xi32>
    %gather3A_128 = tpu.dynamic_gather %add3A_119[%gather3A_127] in [0] : vector<16xf32>, vector<16xi32> -> vector<16xf32>
    %add3A_129 = arith.addf %add3A_119, %gather3A_128 : vector<16xf32>
    %add3A_130 = arith.constant 1 : i32
    %add3A_131 = vector.broadcast %add3A_130 : i32 to vector<16xi32>
    %add3A_132 = arith.addi %iota3A, %add3A_131 : vector<16xi32>
    %and3A_133 = arith.constant 15 : i32
    %and3A_134 = vector.broadcast %and3A_133 : i32 to vector<16xi32>
    %and3A_135 = arith.andi %add3A_132, %and3A_134 : vector<16xi32>
    %broadcast_in_dim3A_136 = vector.shape_cast %and3A_135 : vector<16xi32> to vector<16x1xi32>
    %gather3A_137 = vector.shape_cast %broadcast_in_dim3A_136 : vector<16x1xi32> to vector<16xi32>
    %gather3A_138 = tpu.dynamic_gather %add3A_129[%gather3A_137] in [0] : vector<16xf32>, vector<16xi32> -> vector<16xf32>
    %add3A_139 = arith.addf %add3A_129, %gather3A_138 : vector<16xf32>
    %jit3A_140 = arith.constant 0.000000e+00 : f32
    %broadcast_in_dim3A_141 = vector.broadcast %jit3A_140 : f32 to vector<16xf32>
    %select_n3A_142 = arith.select %eq3A_99, %add3A_139, %broadcast_in_dim3A_141 : vector<16xi1>, vector<16xf32>
    %add3A_143 = arith.addf %add3A_96, %select_n3A_142 : vector<16xf32>
    %eq3A_144 = arith.constant 2 : i32
    %eq3A_145 = vector.broadcast %eq3A_144 : i32 to vector<16xi32>
    %eq3A_146 = arith.cmpi eq, %iota3A, %eq3A_145 : vector<16xi32>
    %add3A_147 = arith.constant 8 : i32
    %add3A_148 = vector.broadcast %add3A_147 : i32 to vector<16xi32>
    %add3A_149 = arith.addi %iota3A, %add3A_148 : vector<16xi32>
    %and3A_150 = arith.constant 15 : i32
    %and3A_151 = vector.broadcast %and3A_150 : i32 to vector<16xi32>
    %and3A_152 = arith.andi %add3A_149, %and3A_151 : vector<16xi32>
    %broadcast_in_dim3A_153 = vector.shape_cast %and3A_152 : vector<16xi32> to vector<16x1xi32>
    %gather3A_154 = vector.shape_cast %broadcast_in_dim3A_153 : vector<16x1xi32> to vector<16xi32>
    %gather3A_155 = tpu.dynamic_gather %scan3A_54#2[%gather3A_154] in [0] : vector<16xf32>, vector<16xi32> -> vector<16xf32>
    %add3A_156 = arith.addf %scan3A_54#2, %gather3A_155 : vector<16xf32>
    %add3A_157 = arith.constant 4 : i32
    %add3A_158 = vector.broadcast %add3A_157 : i32 to vector<16xi32>
    %add3A_159 = arith.addi %iota3A, %add3A_158 : vector<16xi32>
    %and3A_160 = arith.constant 15 : i32
    %and3A_161 = vector.broadcast %and3A_160 : i32 to vector<16xi32>
    %and3A_162 = arith.andi %add3A_159, %and3A_161 : vector<16xi32>
    %broadcast_in_dim3A_163 = vector.shape_cast %and3A_162 : vector<16xi32> to vector<16x1xi32>
    %gather3A_164 = vector.shape_cast %broadcast_in_dim3A_163 : vector<16x1xi32> to vector<16xi32>
    %gather3A_165 = tpu.dynamic_gather %add3A_156[%gather3A_164] in [0] : vector<16xf32>, vector<16xi32> -> vector<16xf32>
    %add3A_166 = arith.addf %add3A_156, %gather3A_165 : vector<16xf32>
    %add3A_167 = arith.constant 2 : i32
    %add3A_168 = vector.broadcast %add3A_167 : i32 to vector<16xi32>
    %add3A_169 = arith.addi %iota3A, %add3A_168 : vector<16xi32>
    %and3A_170 = arith.constant 15 : i32
    %and3A_171 = vector.broadcast %and3A_170 : i32 to vector<16xi32>
    %and3A_172 = arith.andi %add3A_169, %and3A_171 : vector<16xi32>
    %broadcast_in_dim3A_173 = vector.shape_cast %and3A_172 : vector<16xi32> to vector<16x1xi32>
    %gather3A_174 = vector.shape_cast %broadcast_in_dim3A_173 : vector<16x1xi32> to vector<16xi32>
    %gather3A_175 = tpu.dynamic_gather %add3A_166[%gather3A_174] in [0] : vector<16xf32>, vector<16xi32> -> vector<16xf32>
    %add3A_176 = arith.addf %add3A_166, %gather3A_175 : vector<16xf32>
    %add3A_177 = arith.constant 1 : i32
    %add3A_178 = vector.broadcast %add3A_177 : i32 to vector<16xi32>
    %add3A_179 = arith.addi %iota3A, %add3A_178 : vector<16xi32>
    %and3A_180 = arith.constant 15 : i32
    %and3A_181 = vector.broadcast %and3A_180 : i32 to vector<16xi32>
    %and3A_182 = arith.andi %add3A_179, %and3A_181 : vector<16xi32>
    %broadcast_in_dim3A_183 = vector.shape_cast %and3A_182 : vector<16xi32> to vector<16x1xi32>
    %gather3A_184 = vector.shape_cast %broadcast_in_dim3A_183 : vector<16x1xi32> to vector<16xi32>
    %gather3A_185 = tpu.dynamic_gather %add3A_176[%gather3A_184] in [0] : vector<16xf32>, vector<16xi32> -> vector<16xf32>
    %add3A_186 = arith.addf %add3A_176, %gather3A_185 : vector<16xf32>
    %jit3A_187 = arith.constant 0.000000e+00 : f32
    %broadcast_in_dim3A_188 = vector.broadcast %jit3A_187 : f32 to vector<16xf32>
    %select_n3A_189 = arith.select %eq3A_146, %add3A_186, %broadcast_in_dim3A_188 : vector<16xi1>, vector<16xf32>
    %add3A_190 = arith.addf %add3A_143, %select_n3A_189 : vector<16xf32>
    %eq3A_191 = arith.constant 3 : i32
    %eq3A_192 = vector.broadcast %eq3A_191 : i32 to vector<16xi32>
    %eq3A_193 = arith.cmpi eq, %iota3A, %eq3A_192 : vector<16xi32>
    %add3A_194 = arith.constant 8 : i32
    %add3A_195 = vector.broadcast %add3A_194 : i32 to vector<16xi32>
    %add3A_196 = arith.addi %iota3A, %add3A_195 : vector<16xi32>
    %and3A_197 = arith.constant 15 : i32
    %and3A_198 = vector.broadcast %and3A_197 : i32 to vector<16xi32>
    %and3A_199 = arith.andi %add3A_196, %and3A_198 : vector<16xi32>
    %broadcast_in_dim3A_200 = vector.shape_cast %and3A_199 : vector<16xi32> to vector<16x1xi32>
    %gather3A_201 = vector.shape_cast %broadcast_in_dim3A_200 : vector<16x1xi32> to vector<16xi32>
    %gather3A_202 = tpu.dynamic_gather %scan3A_54#3[%gather3A_201] in [0] : vector<16xf32>, vector<16xi32> -> vector<16xf32>
    %add3A_203 = arith.addf %scan3A_54#3, %gather3A_202 : vector<16xf32>
    %add3A_204 = arith.constant 4 : i32
    %add3A_205 = vector.broadcast %add3A_204 : i32 to vector<16xi32>
    %add3A_206 = arith.addi %iota3A, %add3A_205 : vector<16xi32>
    %and3A_207 = arith.constant 15 : i32
    %and3A_208 = vector.broadcast %and3A_207 : i32 to vector<16xi32>
    %and3A_209 = arith.andi %add3A_206, %and3A_208 : vector<16xi32>
    %broadcast_in_dim3A_210 = vector.shape_cast %and3A_209 : vector<16xi32> to vector<16x1xi32>
    %gather3A_211 = vector.shape_cast %broadcast_in_dim3A_210 : vector<16x1xi32> to vector<16xi32>
    %gather3A_212 = tpu.dynamic_gather %add3A_203[%gather3A_211] in [0] : vector<16xf32>, vector<16xi32> -> vector<16xf32>
    %add3A_213 = arith.addf %add3A_203, %gather3A_212 : vector<16xf32>
    %add3A_214 = arith.constant 2 : i32
    %add3A_215 = vector.broadcast %add3A_214 : i32 to vector<16xi32>
    %add3A_216 = arith.addi %iota3A, %add3A_215 : vector<16xi32>
    %and3A_217 = arith.constant 15 : i32
    %and3A_218 = vector.broadcast %and3A_217 : i32 to vector<16xi32>
    %and3A_219 = arith.andi %add3A_216, %and3A_218 : vector<16xi32>
    %broadcast_in_dim3A_220 = vector.shape_cast %and3A_219 : vector<16xi32> to vector<16x1xi32>
    %gather3A_221 = vector.shape_cast %broadcast_in_dim3A_220 : vector<16x1xi32> to vector<16xi32>
    %gather3A_222 = tpu.dynamic_gather %add3A_213[%gather3A_221] in [0] : vector<16xf32>, vector<16xi32> -> vector<16xf32>
    %add3A_223 = arith.addf %add3A_213, %gather3A_222 : vector<16xf32>
    %add3A_224 = arith.constant 1 : i32
    %add3A_225 = vector.broadcast %add3A_224 : i32 to vector<16xi32>
    %add3A_226 = arith.addi %iota3A, %add3A_225 : vector<16xi32>
    %and3A_227 = arith.constant 15 : i32
    %and3A_228 = vector.broadcast %and3A_227 : i32 to vector<16xi32>
    %and3A_229 = arith.andi %add3A_226, %and3A_228 : vector<16xi32>
    %broadcast_in_dim3A_230 = vector.shape_cast %and3A_229 : vector<16xi32> to vector<16x1xi32>
    %gather3A_231 = vector.shape_cast %broadcast_in_dim3A_230 : vector<16x1xi32> to vector<16xi32>
    %gather3A_232 = tpu.dynamic_gather %add3A_223[%gather3A_231] in [0] : vector<16xf32>, vector<16xi32> -> vector<16xf32>
    %add3A_233 = arith.addf %add3A_223, %gather3A_232 : vector<16xf32>
    %jit3A_234 = arith.constant 0.000000e+00 : f32
    %broadcast_in_dim3A_235 = vector.broadcast %jit3A_234 : f32 to vector<16xf32>
    %select_n3A_236 = arith.select %eq3A_193, %add3A_233, %broadcast_in_dim3A_235 : vector<16xi1>, vector<16xf32>
    %add3A_237 = arith.addf %add3A_190, %select_n3A_236 : vector<16xf32>
    %eq3A_238 = arith.constant 4 : i32
    %eq3A_239 = vector.broadcast %eq3A_238 : i32 to vector<16xi32>
    %eq3A_240 = arith.cmpi eq, %iota3A, %eq3A_239 : vector<16xi32>
    %add3A_241 = arith.constant 8 : i32
    %add3A_242 = vector.broadcast %add3A_241 : i32 to vector<16xi32>
    %add3A_243 = arith.addi %iota3A, %add3A_242 : vector<16xi32>
    %and3A_244 = arith.constant 15 : i32
    %and3A_245 = vector.broadcast %and3A_244 : i32 to vector<16xi32>
    %and3A_246 = arith.andi %add3A_243, %and3A_245 : vector<16xi32>
    %broadcast_in_dim3A_247 = vector.shape_cast %and3A_246 : vector<16xi32> to vector<16x1xi32>
    %gather3A_248 = vector.shape_cast %broadcast_in_dim3A_247 : vector<16x1xi32> to vector<16xi32>
    %gather3A_249 = tpu.dynamic_gather %scan3A_54#4[%gather3A_248] in [0] : vector<16xf32>, vector<16xi32> -> vector<16xf32>
    %add3A_250 = arith.addf %scan3A_54#4, %gather3A_249 : vector<16xf32>
    %add3A_251 = arith.constant 4 : i32
    %add3A_252 = vector.broadcast %add3A_251 : i32 to vector<16xi32>
    %add3A_253 = arith.addi %iota3A, %add3A_252 : vector<16xi32>
    %and3A_254 = arith.constant 15 : i32
    %and3A_255 = vector.broadcast %and3A_254 : i32 to vector<16xi32>
    %and3A_256 = arith.andi %add3A_253, %and3A_255 : vector<16xi32>
    %broadcast_in_dim3A_257 = vector.shape_cast %and3A_256 : vector<16xi32> to vector<16x1xi32>
    %gather3A_258 = vector.shape_cast %broadcast_in_dim3A_257 : vector<16x1xi32> to vector<16xi32>
    %gather3A_259 = tpu.dynamic_gather %add3A_250[%gather3A_258] in [0] : vector<16xf32>, vector<16xi32> -> vector<16xf32>
    %add3A_260 = arith.addf %add3A_250, %gather3A_259 : vector<16xf32>
    %add3A_261 = arith.constant 2 : i32
    %add3A_262 = vector.broadcast %add3A_261 : i32 to vector<16xi32>
    %add3A_263 = arith.addi %iota3A, %add3A_262 : vector<16xi32>
    %and3A_264 = arith.constant 15 : i32
    %and3A_265 = vector.broadcast %and3A_264 : i32 to vector<16xi32>
    %and3A_266 = arith.andi %add3A_263, %and3A_265 : vector<16xi32>
    %broadcast_in_dim3A_267 = vector.shape_cast %and3A_266 : vector<16xi32> to vector<16x1xi32>
    %gather3A_268 = vector.shape_cast %broadcast_in_dim3A_267 : vector<16x1xi32> to vector<16xi32>
    %gather3A_269 = tpu.dynamic_gather %add3A_260[%gather3A_268] in [0] : vector<16xf32>, vector<16xi32> -> vector<16xf32>
    %add3A_270 = arith.addf %add3A_260, %gather3A_269 : vector<16xf32>
    %add3A_271 = arith.constant 1 : i32
    %add3A_272 = vector.broadcast %add3A_271 : i32 to vector<16xi32>
    %add3A_273 = arith.addi %iota3A, %add3A_272 : vector<16xi32>
    %and3A_274 = arith.constant 15 : i32
    %and3A_275 = vector.broadcast %and3A_274 : i32 to vector<16xi32>
    %and3A_276 = arith.andi %add3A_273, %and3A_275 : vector<16xi32>
    %broadcast_in_dim3A_277 = vector.shape_cast %and3A_276 : vector<16xi32> to vector<16x1xi32>
    %gather3A_278 = vector.shape_cast %broadcast_in_dim3A_277 : vector<16x1xi32> to vector<16xi32>
    %gather3A_279 = tpu.dynamic_gather %add3A_270[%gather3A_278] in [0] : vector<16xf32>, vector<16xi32> -> vector<16xf32>
    %add3A_280 = arith.addf %add3A_270, %gather3A_279 : vector<16xf32>
    %jit3A_281 = arith.constant 0.000000e+00 : f32
    %broadcast_in_dim3A_282 = vector.broadcast %jit3A_281 : f32 to vector<16xf32>
    %select_n3A_283 = arith.select %eq3A_240, %add3A_280, %broadcast_in_dim3A_282 : vector<16xi1>, vector<16xf32>
    %add3A_284 = arith.addf %add3A_237, %select_n3A_283 : vector<16xf32>
    %eq3A_285 = arith.constant 5 : i32
    %eq3A_286 = vector.broadcast %eq3A_285 : i32 to vector<16xi32>
    %eq3A_287 = arith.cmpi eq, %iota3A, %eq3A_286 : vector<16xi32>
    %add3A_288 = arith.constant 8 : i32
    %add3A_289 = vector.broadcast %add3A_288 : i32 to vector<16xi32>
    %add3A_290 = arith.addi %iota3A, %add3A_289 : vector<16xi32>
    %and3A_291 = arith.constant 15 : i32
    %and3A_292 = vector.broadcast %and3A_291 : i32 to vector<16xi32>
    %and3A_293 = arith.andi %add3A_290, %and3A_292 : vector<16xi32>
    %broadcast_in_dim3A_294 = vector.shape_cast %and3A_293 : vector<16xi32> to vector<16x1xi32>
    %gather3A_295 = vector.shape_cast %broadcast_in_dim3A_294 : vector<16x1xi32> to vector<16xi32>
    %gather3A_296 = tpu.dynamic_gather %scan3A_54#5[%gather3A_295] in [0] : vector<16xf32>, vector<16xi32> -> vector<16xf32>
    %add3A_297 = arith.addf %scan3A_54#5, %gather3A_296 : vector<16xf32>
    %add3A_298 = arith.constant 4 : i32
    %add3A_299 = vector.broadcast %add3A_298 : i32 to vector<16xi32>
    %add3A_300 = arith.addi %iota3A, %add3A_299 : vector<16xi32>
    %and3A_301 = arith.constant 15 : i32
    %and3A_302 = vector.broadcast %and3A_301 : i32 to vector<16xi32>
    %and3A_303 = arith.andi %add3A_300, %and3A_302 : vector<16xi32>
    %broadcast_in_dim3A_304 = vector.shape_cast %and3A_303 : vector<16xi32> to vector<16x1xi32>
    %gather3A_305 = vector.shape_cast %broadcast_in_dim3A_304 : vector<16x1xi32> to vector<16xi32>
    %gather3A_306 = tpu.dynamic_gather %add3A_297[%gather3A_305] in [0] : vector<16xf32>, vector<16xi32> -> vector<16xf32>
    %add3A_307 = arith.addf %add3A_297, %gather3A_306 : vector<16xf32>
    %add3A_308 = arith.constant 2 : i32
    %add3A_309 = vector.broadcast %add3A_308 : i32 to vector<16xi32>
    %add3A_310 = arith.addi %iota3A, %add3A_309 : vector<16xi32>
    %and3A_311 = arith.constant 15 : i32
    %and3A_312 = vector.broadcast %and3A_311 : i32 to vector<16xi32>
    %and3A_313 = arith.andi %add3A_310, %and3A_312 : vector<16xi32>
    %broadcast_in_dim3A_314 = vector.shape_cast %and3A_313 : vector<16xi32> to vector<16x1xi32>
    %gather3A_315 = vector.shape_cast %broadcast_in_dim3A_314 : vector<16x1xi32> to vector<16xi32>
    %gather3A_316 = tpu.dynamic_gather %add3A_307[%gather3A_315] in [0] : vector<16xf32>, vector<16xi32> -> vector<16xf32>
    %add3A_317 = arith.addf %add3A_307, %gather3A_316 : vector<16xf32>
    %add3A_318 = arith.constant 1 : i32
    %add3A_319 = vector.broadcast %add3A_318 : i32 to vector<16xi32>
    %add3A_320 = arith.addi %iota3A, %add3A_319 : vector<16xi32>
    %and3A_321 = arith.constant 15 : i32
    %and3A_322 = vector.broadcast %and3A_321 : i32 to vector<16xi32>
    %and3A_323 = arith.andi %add3A_320, %and3A_322 : vector<16xi32>
    %broadcast_in_dim3A_324 = vector.shape_cast %and3A_323 : vector<16xi32> to vector<16x1xi32>
    %gather3A_325 = vector.shape_cast %broadcast_in_dim3A_324 : vector<16x1xi32> to vector<16xi32>
    %gather3A_326 = tpu.dynamic_gather %add3A_317[%gather3A_325] in [0] : vector<16xf32>, vector<16xi32> -> vector<16xf32>
    %add3A_327 = arith.addf %add3A_317, %gather3A_326 : vector<16xf32>
    %jit3A_328 = arith.constant 0.000000e+00 : f32
    %broadcast_in_dim3A_329 = vector.broadcast %jit3A_328 : f32 to vector<16xf32>
    %select_n3A_330 = arith.select %eq3A_287, %add3A_327, %broadcast_in_dim3A_329 : vector<16xi1>, vector<16xf32>
    %add3A_331 = arith.addf %add3A_284, %select_n3A_330 : vector<16xf32>
    %eq3A_332 = arith.constant 6 : i32
    %eq3A_333 = vector.broadcast %eq3A_332 : i32 to vector<16xi32>
    %eq3A_334 = arith.cmpi eq, %iota3A, %eq3A_333 : vector<16xi32>
    %add3A_335 = arith.constant 8 : i32
    %add3A_336 = vector.broadcast %add3A_335 : i32 to vector<16xi32>
    %add3A_337 = arith.addi %iota3A, %add3A_336 : vector<16xi32>
    %and3A_338 = arith.constant 15 : i32
    %and3A_339 = vector.broadcast %and3A_338 : i32 to vector<16xi32>
    %and3A_340 = arith.andi %add3A_337, %and3A_339 : vector<16xi32>
    %broadcast_in_dim3A_341 = vector.shape_cast %and3A_340 : vector<16xi32> to vector<16x1xi32>
    %gather3A_342 = vector.shape_cast %broadcast_in_dim3A_341 : vector<16x1xi32> to vector<16xi32>
    %gather3A_343 = tpu.dynamic_gather %scan3A_54#6[%gather3A_342] in [0] : vector<16xf32>, vector<16xi32> -> vector<16xf32>
    %add3A_344 = arith.addf %scan3A_54#6, %gather3A_343 : vector<16xf32>
    %add3A_345 = arith.constant 4 : i32
    %add3A_346 = vector.broadcast %add3A_345 : i32 to vector<16xi32>
    %add3A_347 = arith.addi %iota3A, %add3A_346 : vector<16xi32>
    %and3A_348 = arith.constant 15 : i32
    %and3A_349 = vector.broadcast %and3A_348 : i32 to vector<16xi32>
    %and3A_350 = arith.andi %add3A_347, %and3A_349 : vector<16xi32>
    %broadcast_in_dim3A_351 = vector.shape_cast %and3A_350 : vector<16xi32> to vector<16x1xi32>
    %gather3A_352 = vector.shape_cast %broadcast_in_dim3A_351 : vector<16x1xi32> to vector<16xi32>
    %gather3A_353 = tpu.dynamic_gather %add3A_344[%gather3A_352] in [0] : vector<16xf32>, vector<16xi32> -> vector<16xf32>
    %add3A_354 = arith.addf %add3A_344, %gather3A_353 : vector<16xf32>
    %add3A_355 = arith.constant 2 : i32
    %add3A_356 = vector.broadcast %add3A_355 : i32 to vector<16xi32>
    %add3A_357 = arith.addi %iota3A, %add3A_356 : vector<16xi32>
    %and3A_358 = arith.constant 15 : i32
    %and3A_359 = vector.broadcast %and3A_358 : i32 to vector<16xi32>
    %and3A_360 = arith.andi %add3A_357, %and3A_359 : vector<16xi32>
    %broadcast_in_dim3A_361 = vector.shape_cast %and3A_360 : vector<16xi32> to vector<16x1xi32>
    %gather3A_362 = vector.shape_cast %broadcast_in_dim3A_361 : vector<16x1xi32> to vector<16xi32>
    %gather3A_363 = tpu.dynamic_gather %add3A_354[%gather3A_362] in [0] : vector<16xf32>, vector<16xi32> -> vector<16xf32>
    %add3A_364 = arith.addf %add3A_354, %gather3A_363 : vector<16xf32>
    %add3A_365 = arith.constant 1 : i32
    %add3A_366 = vector.broadcast %add3A_365 : i32 to vector<16xi32>
    %add3A_367 = arith.addi %iota3A, %add3A_366 : vector<16xi32>
    %and3A_368 = arith.constant 15 : i32
    %and3A_369 = vector.broadcast %and3A_368 : i32 to vector<16xi32>
    %and3A_370 = arith.andi %add3A_367, %and3A_369 : vector<16xi32>
    %broadcast_in_dim3A_371 = vector.shape_cast %and3A_370 : vector<16xi32> to vector<16x1xi32>
    %gather3A_372 = vector.shape_cast %broadcast_in_dim3A_371 : vector<16x1xi32> to vector<16xi32>
    %gather3A_373 = tpu.dynamic_gather %add3A_364[%gather3A_372] in [0] : vector<16xf32>, vector<16xi32> -> vector<16xf32>
    %add3A_374 = arith.addf %add3A_364, %gather3A_373 : vector<16xf32>
    %jit3A_375 = arith.constant 0.000000e+00 : f32
    %broadcast_in_dim3A_376 = vector.broadcast %jit3A_375 : f32 to vector<16xf32>
    %select_n3A_377 = arith.select %eq3A_334, %add3A_374, %broadcast_in_dim3A_376 : vector<16xi1>, vector<16xf32>
    %add3A_378 = arith.addf %add3A_331, %select_n3A_377 : vector<16xf32>
    %eq3A_379 = arith.constant 7 : i32
    %eq3A_380 = vector.broadcast %eq3A_379 : i32 to vector<16xi32>
    %eq3A_381 = arith.cmpi eq, %iota3A, %eq3A_380 : vector<16xi32>
    %add3A_382 = arith.constant 8 : i32
    %add3A_383 = vector.broadcast %add3A_382 : i32 to vector<16xi32>
    %add3A_384 = arith.addi %iota3A, %add3A_383 : vector<16xi32>
    %and3A_385 = arith.constant 15 : i32
    %and3A_386 = vector.broadcast %and3A_385 : i32 to vector<16xi32>
    %and3A_387 = arith.andi %add3A_384, %and3A_386 : vector<16xi32>
    %broadcast_in_dim3A_388 = vector.shape_cast %and3A_387 : vector<16xi32> to vector<16x1xi32>
    %gather3A_389 = vector.shape_cast %broadcast_in_dim3A_388 : vector<16x1xi32> to vector<16xi32>
    %gather3A_390 = tpu.dynamic_gather %scan3A_54#7[%gather3A_389] in [0] : vector<16xf32>, vector<16xi32> -> vector<16xf32>
    %add3A_391 = arith.addf %scan3A_54#7, %gather3A_390 : vector<16xf32>
    %add3A_392 = arith.constant 4 : i32
    %add3A_393 = vector.broadcast %add3A_392 : i32 to vector<16xi32>
    %add3A_394 = arith.addi %iota3A, %add3A_393 : vector<16xi32>
    %and3A_395 = arith.constant 15 : i32
    %and3A_396 = vector.broadcast %and3A_395 : i32 to vector<16xi32>
    %and3A_397 = arith.andi %add3A_394, %and3A_396 : vector<16xi32>
    %broadcast_in_dim3A_398 = vector.shape_cast %and3A_397 : vector<16xi32> to vector<16x1xi32>
    %gather3A_399 = vector.shape_cast %broadcast_in_dim3A_398 : vector<16x1xi32> to vector<16xi32>
    %gather3A_400 = tpu.dynamic_gather %add3A_391[%gather3A_399] in [0] : vector<16xf32>, vector<16xi32> -> vector<16xf32>
    %add3A_401 = arith.addf %add3A_391, %gather3A_400 : vector<16xf32>
    %add3A_402 = arith.constant 2 : i32
    %add3A_403 = vector.broadcast %add3A_402 : i32 to vector<16xi32>
    %add3A_404 = arith.addi %iota3A, %add3A_403 : vector<16xi32>
    %and3A_405 = arith.constant 15 : i32
    %and3A_406 = vector.broadcast %and3A_405 : i32 to vector<16xi32>
    %and3A_407 = arith.andi %add3A_404, %and3A_406 : vector<16xi32>
    %broadcast_in_dim3A_408 = vector.shape_cast %and3A_407 : vector<16xi32> to vector<16x1xi32>
    %gather3A_409 = vector.shape_cast %broadcast_in_dim3A_408 : vector<16x1xi32> to vector<16xi32>
    %gather3A_410 = tpu.dynamic_gather %add3A_401[%gather3A_409] in [0] : vector<16xf32>, vector<16xi32> -> vector<16xf32>
    %add3A_411 = arith.addf %add3A_401, %gather3A_410 : vector<16xf32>
    %add3A_412 = arith.constant 1 : i32
    %add3A_413 = vector.broadcast %add3A_412 : i32 to vector<16xi32>
    %add3A_414 = arith.addi %iota3A, %add3A_413 : vector<16xi32>
    %and3A_415 = arith.constant 15 : i32
    %and3A_416 = vector.broadcast %and3A_415 : i32 to vector<16xi32>
    %and3A_417 = arith.andi %add3A_414, %and3A_416 : vector<16xi32>
    %broadcast_in_dim3A_418 = vector.shape_cast %and3A_417 : vector<16xi32> to vector<16x1xi32>
    %gather3A_419 = vector.shape_cast %broadcast_in_dim3A_418 : vector<16x1xi32> to vector<16xi32>
    %gather3A_420 = tpu.dynamic_gather %add3A_411[%gather3A_419] in [0] : vector<16xf32>, vector<16xi32> -> vector<16xf32>
    %add3A_421 = arith.addf %add3A_411, %gather3A_420 : vector<16xf32>
    %jit3A_422 = arith.constant 0.000000e+00 : f32
    %broadcast_in_dim3A_423 = vector.broadcast %jit3A_422 : f32 to vector<16xf32>
    %select_n3A_424 = arith.select %eq3A_381, %add3A_421, %broadcast_in_dim3A_423 : vector<16xi1>, vector<16xf32>
    %add3A_425 = arith.addf %add3A_378, %select_n3A_424 : vector<16xf32>
    %eq3A_426 = arith.constant 8 : i32
    %eq3A_427 = vector.broadcast %eq3A_426 : i32 to vector<16xi32>
    %eq3A_428 = arith.cmpi eq, %iota3A, %eq3A_427 : vector<16xi32>
    %add3A_429 = arith.constant 8 : i32
    %add3A_430 = vector.broadcast %add3A_429 : i32 to vector<16xi32>
    %add3A_431 = arith.addi %iota3A, %add3A_430 : vector<16xi32>
    %and3A_432 = arith.constant 15 : i32
    %and3A_433 = vector.broadcast %and3A_432 : i32 to vector<16xi32>
    %and3A_434 = arith.andi %add3A_431, %and3A_433 : vector<16xi32>
    %broadcast_in_dim3A_435 = vector.shape_cast %and3A_434 : vector<16xi32> to vector<16x1xi32>
    %gather3A_436 = vector.shape_cast %broadcast_in_dim3A_435 : vector<16x1xi32> to vector<16xi32>
    %gather3A_437 = tpu.dynamic_gather %scan3A_54#8[%gather3A_436] in [0] : vector<16xf32>, vector<16xi32> -> vector<16xf32>
    %add3A_438 = arith.addf %scan3A_54#8, %gather3A_437 : vector<16xf32>
    %add3A_439 = arith.constant 4 : i32
    %add3A_440 = vector.broadcast %add3A_439 : i32 to vector<16xi32>
    %add3A_441 = arith.addi %iota3A, %add3A_440 : vector<16xi32>
    %and3A_442 = arith.constant 15 : i32
    %and3A_443 = vector.broadcast %and3A_442 : i32 to vector<16xi32>
    %and3A_444 = arith.andi %add3A_441, %and3A_443 : vector<16xi32>
    %broadcast_in_dim3A_445 = vector.shape_cast %and3A_444 : vector<16xi32> to vector<16x1xi32>
    %gather3A_446 = vector.shape_cast %broadcast_in_dim3A_445 : vector<16x1xi32> to vector<16xi32>
    %gather3A_447 = tpu.dynamic_gather %add3A_438[%gather3A_446] in [0] : vector<16xf32>, vector<16xi32> -> vector<16xf32>
    %add3A_448 = arith.addf %add3A_438, %gather3A_447 : vector<16xf32>
    %add3A_449 = arith.constant 2 : i32
    %add3A_450 = vector.broadcast %add3A_449 : i32 to vector<16xi32>
    %add3A_451 = arith.addi %iota3A, %add3A_450 : vector<16xi32>
    %and3A_452 = arith.constant 15 : i32
    %and3A_453 = vector.broadcast %and3A_452 : i32 to vector<16xi32>
    %and3A_454 = arith.andi %add3A_451, %and3A_453 : vector<16xi32>
    %broadcast_in_dim3A_455 = vector.shape_cast %and3A_454 : vector<16xi32> to vector<16x1xi32>
    %gather3A_456 = vector.shape_cast %broadcast_in_dim3A_455 : vector<16x1xi32> to vector<16xi32>
    %gather3A_457 = tpu.dynamic_gather %add3A_448[%gather3A_456] in [0] : vector<16xf32>, vector<16xi32> -> vector<16xf32>
    %add3A_458 = arith.addf %add3A_448, %gather3A_457 : vector<16xf32>
    %add3A_459 = arith.constant 1 : i32
    %add3A_460 = vector.broadcast %add3A_459 : i32 to vector<16xi32>
    %add3A_461 = arith.addi %iota3A, %add3A_460 : vector<16xi32>
    %and3A_462 = arith.constant 15 : i32
    %and3A_463 = vector.broadcast %and3A_462 : i32 to vector<16xi32>
    %and3A_464 = arith.andi %add3A_461, %and3A_463 : vector<16xi32>
    %broadcast_in_dim3A_465 = vector.shape_cast %and3A_464 : vector<16xi32> to vector<16x1xi32>
    %gather3A_466 = vector.shape_cast %broadcast_in_dim3A_465 : vector<16x1xi32> to vector<16xi32>
    %gather3A_467 = tpu.dynamic_gather %add3A_458[%gather3A_466] in [0] : vector<16xf32>, vector<16xi32> -> vector<16xf32>
    %add3A_468 = arith.addf %add3A_458, %gather3A_467 : vector<16xf32>
    %jit3A_469 = arith.constant 0.000000e+00 : f32
    %broadcast_in_dim3A_470 = vector.broadcast %jit3A_469 : f32 to vector<16xf32>
    %select_n3A_471 = arith.select %eq3A_428, %add3A_468, %broadcast_in_dim3A_470 : vector<16xi1>, vector<16xf32>
    %add3A_472 = arith.addf %add3A_425, %select_n3A_471 : vector<16xf32>
    %eq3A_473 = arith.constant 9 : i32
    %eq3A_474 = vector.broadcast %eq3A_473 : i32 to vector<16xi32>
    %eq3A_475 = arith.cmpi eq, %iota3A, %eq3A_474 : vector<16xi32>
    %add3A_476 = arith.constant 8 : i32
    %add3A_477 = vector.broadcast %add3A_476 : i32 to vector<16xi32>
    %add3A_478 = arith.addi %iota3A, %add3A_477 : vector<16xi32>
    %and3A_479 = arith.constant 15 : i32
    %and3A_480 = vector.broadcast %and3A_479 : i32 to vector<16xi32>
    %and3A_481 = arith.andi %add3A_478, %and3A_480 : vector<16xi32>
    %broadcast_in_dim3A_482 = vector.shape_cast %and3A_481 : vector<16xi32> to vector<16x1xi32>
    %gather3A_483 = vector.shape_cast %broadcast_in_dim3A_482 : vector<16x1xi32> to vector<16xi32>
    %gather3A_484 = tpu.dynamic_gather %scan3A_54#9[%gather3A_483] in [0] : vector<16xf32>, vector<16xi32> -> vector<16xf32>
    %add3A_485 = arith.addf %scan3A_54#9, %gather3A_484 : vector<16xf32>
    %add3A_486 = arith.constant 4 : i32
    %add3A_487 = vector.broadcast %add3A_486 : i32 to vector<16xi32>
    %add3A_488 = arith.addi %iota3A, %add3A_487 : vector<16xi32>
    %and3A_489 = arith.constant 15 : i32
    %and3A_490 = vector.broadcast %and3A_489 : i32 to vector<16xi32>
    %and3A_491 = arith.andi %add3A_488, %and3A_490 : vector<16xi32>
    %broadcast_in_dim3A_492 = vector.shape_cast %and3A_491 : vector<16xi32> to vector<16x1xi32>
    %gather3A_493 = vector.shape_cast %broadcast_in_dim3A_492 : vector<16x1xi32> to vector<16xi32>
    %gather3A_494 = tpu.dynamic_gather %add3A_485[%gather3A_493] in [0] : vector<16xf32>, vector<16xi32> -> vector<16xf32>
    %add3A_495 = arith.addf %add3A_485, %gather3A_494 : vector<16xf32>
    %add3A_496 = arith.constant 2 : i32
    %add3A_497 = vector.broadcast %add3A_496 : i32 to vector<16xi32>
    %add3A_498 = arith.addi %iota3A, %add3A_497 : vector<16xi32>
    %and3A_499 = arith.constant 15 : i32
    %and3A_500 = vector.broadcast %and3A_499 : i32 to vector<16xi32>
    %and3A_501 = arith.andi %add3A_498, %and3A_500 : vector<16xi32>
    %broadcast_in_dim3A_502 = vector.shape_cast %and3A_501 : vector<16xi32> to vector<16x1xi32>
    %gather3A_503 = vector.shape_cast %broadcast_in_dim3A_502 : vector<16x1xi32> to vector<16xi32>
    %gather3A_504 = tpu.dynamic_gather %add3A_495[%gather3A_503] in [0] : vector<16xf32>, vector<16xi32> -> vector<16xf32>
    %add3A_505 = arith.addf %add3A_495, %gather3A_504 : vector<16xf32>
    %add3A_506 = arith.constant 1 : i32
    %add3A_507 = vector.broadcast %add3A_506 : i32 to vector<16xi32>
    %add3A_508 = arith.addi %iota3A, %add3A_507 : vector<16xi32>
    %and3A_509 = arith.constant 15 : i32
    %and3A_510 = vector.broadcast %and3A_509 : i32 to vector<16xi32>
    %and3A_511 = arith.andi %add3A_508, %and3A_510 : vector<16xi32>
    %broadcast_in_dim3A_512 = vector.shape_cast %and3A_511 : vector<16xi32> to vector<16x1xi32>
    %gather3A_513 = vector.shape_cast %broadcast_in_dim3A_512 : vector<16x1xi32> to vector<16xi32>
    %gather3A_514 = tpu.dynamic_gather %add3A_505[%gather3A_513] in [0] : vector<16xf32>, vector<16xi32> -> vector<16xf32>
    %add3A_515 = arith.addf %add3A_505, %gather3A_514 : vector<16xf32>
    %jit3A_516 = arith.constant 0.000000e+00 : f32
    %broadcast_in_dim3A_517 = vector.broadcast %jit3A_516 : f32 to vector<16xf32>
    %select_n3A_518 = arith.select %eq3A_475, %add3A_515, %broadcast_in_dim3A_517 : vector<16xi1>, vector<16xf32>
    %add3A_519 = arith.addf %add3A_472, %select_n3A_518 : vector<16xf32>
    %eq3A_520 = arith.constant 10 : i32
    %eq3A_521 = vector.broadcast %eq3A_520 : i32 to vector<16xi32>
    %eq3A_522 = arith.cmpi eq, %iota3A, %eq3A_521 : vector<16xi32>
    %add3A_523 = arith.constant 8 : i32
    %add3A_524 = vector.broadcast %add3A_523 : i32 to vector<16xi32>
    %add3A_525 = arith.addi %iota3A, %add3A_524 : vector<16xi32>
    %and3A_526 = arith.constant 15 : i32
    %and3A_527 = vector.broadcast %and3A_526 : i32 to vector<16xi32>
    %and3A_528 = arith.andi %add3A_525, %and3A_527 : vector<16xi32>
    %broadcast_in_dim3A_529 = vector.shape_cast %and3A_528 : vector<16xi32> to vector<16x1xi32>
    %gather3A_530 = vector.shape_cast %broadcast_in_dim3A_529 : vector<16x1xi32> to vector<16xi32>
    %gather3A_531 = tpu.dynamic_gather %scan3A_54#10[%gather3A_530] in [0] : vector<16xf32>, vector<16xi32> -> vector<16xf32>
    %add3A_532 = arith.addf %scan3A_54#10, %gather3A_531 : vector<16xf32>
    %add3A_533 = arith.constant 4 : i32
    %add3A_534 = vector.broadcast %add3A_533 : i32 to vector<16xi32>
    %add3A_535 = arith.addi %iota3A, %add3A_534 : vector<16xi32>
    %and3A_536 = arith.constant 15 : i32
    %and3A_537 = vector.broadcast %and3A_536 : i32 to vector<16xi32>
    %and3A_538 = arith.andi %add3A_535, %and3A_537 : vector<16xi32>
    %broadcast_in_dim3A_539 = vector.shape_cast %and3A_538 : vector<16xi32> to vector<16x1xi32>
    %gather3A_540 = vector.shape_cast %broadcast_in_dim3A_539 : vector<16x1xi32> to vector<16xi32>
    %gather3A_541 = tpu.dynamic_gather %add3A_532[%gather3A_540] in [0] : vector<16xf32>, vector<16xi32> -> vector<16xf32>
    %add3A_542 = arith.addf %add3A_532, %gather3A_541 : vector<16xf32>
    %add3A_543 = arith.constant 2 : i32
    %add3A_544 = vector.broadcast %add3A_543 : i32 to vector<16xi32>
    %add3A_545 = arith.addi %iota3A, %add3A_544 : vector<16xi32>
    %and3A_546 = arith.constant 15 : i32
    %and3A_547 = vector.broadcast %and3A_546 : i32 to vector<16xi32>
    %and3A_548 = arith.andi %add3A_545, %and3A_547 : vector<16xi32>
    %broadcast_in_dim3A_549 = vector.shape_cast %and3A_548 : vector<16xi32> to vector<16x1xi32>
    %gather3A_550 = vector.shape_cast %broadcast_in_dim3A_549 : vector<16x1xi32> to vector<16xi32>
    %gather3A_551 = tpu.dynamic_gather %add3A_542[%gather3A_550] in [0] : vector<16xf32>, vector<16xi32> -> vector<16xf32>
    %add3A_552 = arith.addf %add3A_542, %gather3A_551 : vector<16xf32>
    %add3A_553 = arith.constant 1 : i32
    %add3A_554 = vector.broadcast %add3A_553 : i32 to vector<16xi32>
    %add3A_555 = arith.addi %iota3A, %add3A_554 : vector<16xi32>
    %and3A_556 = arith.constant 15 : i32
    %and3A_557 = vector.broadcast %and3A_556 : i32 to vector<16xi32>
    %and3A_558 = arith.andi %add3A_555, %and3A_557 : vector<16xi32>
    %broadcast_in_dim3A_559 = vector.shape_cast %and3A_558 : vector<16xi32> to vector<16x1xi32>
    %gather3A_560 = vector.shape_cast %broadcast_in_dim3A_559 : vector<16x1xi32> to vector<16xi32>
    %gather3A_561 = tpu.dynamic_gather %add3A_552[%gather3A_560] in [0] : vector<16xf32>, vector<16xi32> -> vector<16xf32>
    %add3A_562 = arith.addf %add3A_552, %gather3A_561 : vector<16xf32>
    %jit3A_563 = arith.constant 0.000000e+00 : f32
    %broadcast_in_dim3A_564 = vector.broadcast %jit3A_563 : f32 to vector<16xf32>
    %select_n3A_565 = arith.select %eq3A_522, %add3A_562, %broadcast_in_dim3A_564 : vector<16xi1>, vector<16xf32>
    %add3A_566 = arith.addf %add3A_519, %select_n3A_565 : vector<16xf32>
    %eq3A_567 = arith.constant 11 : i32
    %eq3A_568 = vector.broadcast %eq3A_567 : i32 to vector<16xi32>
    %eq3A_569 = arith.cmpi eq, %iota3A, %eq3A_568 : vector<16xi32>
    %add3A_570 = arith.constant 8 : i32
    %add3A_571 = vector.broadcast %add3A_570 : i32 to vector<16xi32>
    %add3A_572 = arith.addi %iota3A, %add3A_571 : vector<16xi32>
    %and3A_573 = arith.constant 15 : i32
    %and3A_574 = vector.broadcast %and3A_573 : i32 to vector<16xi32>
    %and3A_575 = arith.andi %add3A_572, %and3A_574 : vector<16xi32>
    %broadcast_in_dim3A_576 = vector.shape_cast %and3A_575 : vector<16xi32> to vector<16x1xi32>
    %gather3A_577 = vector.shape_cast %broadcast_in_dim3A_576 : vector<16x1xi32> to vector<16xi32>
    %gather3A_578 = tpu.dynamic_gather %scan3A_54#11[%gather3A_577] in [0] : vector<16xf32>, vector<16xi32> -> vector<16xf32>
    %add3A_579 = arith.addf %scan3A_54#11, %gather3A_578 : vector<16xf32>
    %add3A_580 = arith.constant 4 : i32
    %add3A_581 = vector.broadcast %add3A_580 : i32 to vector<16xi32>
    %add3A_582 = arith.addi %iota3A, %add3A_581 : vector<16xi32>
    %and3A_583 = arith.constant 15 : i32
    %and3A_584 = vector.broadcast %and3A_583 : i32 to vector<16xi32>
    %and3A_585 = arith.andi %add3A_582, %and3A_584 : vector<16xi32>
    %broadcast_in_dim3A_586 = vector.shape_cast %and3A_585 : vector<16xi32> to vector<16x1xi32>
    %gather3A_587 = vector.shape_cast %broadcast_in_dim3A_586 : vector<16x1xi32> to vector<16xi32>
    %gather3A_588 = tpu.dynamic_gather %add3A_579[%gather3A_587] in [0] : vector<16xf32>, vector<16xi32> -> vector<16xf32>
    %add3A_589 = arith.addf %add3A_579, %gather3A_588 : vector<16xf32>
    %add3A_590 = arith.constant 2 : i32
    %add3A_591 = vector.broadcast %add3A_590 : i32 to vector<16xi32>
    %add3A_592 = arith.addi %iota3A, %add3A_591 : vector<16xi32>
    %and3A_593 = arith.constant 15 : i32
    %and3A_594 = vector.broadcast %and3A_593 : i32 to vector<16xi32>
    %and3A_595 = arith.andi %add3A_592, %and3A_594 : vector<16xi32>
    %broadcast_in_dim3A_596 = vector.shape_cast %and3A_595 : vector<16xi32> to vector<16x1xi32>
    %gather3A_597 = vector.shape_cast %broadcast_in_dim3A_596 : vector<16x1xi32> to vector<16xi32>
    %gather3A_598 = tpu.dynamic_gather %add3A_589[%gather3A_597] in [0] : vector<16xf32>, vector<16xi32> -> vector<16xf32>
    %add3A_599 = arith.addf %add3A_589, %gather3A_598 : vector<16xf32>
    %add3A_600 = arith.constant 1 : i32
    %add3A_601 = vector.broadcast %add3A_600 : i32 to vector<16xi32>
    %add3A_602 = arith.addi %iota3A, %add3A_601 : vector<16xi32>
    %and3A_603 = arith.constant 15 : i32
    %and3A_604 = vector.broadcast %and3A_603 : i32 to vector<16xi32>
    %and3A_605 = arith.andi %add3A_602, %and3A_604 : vector<16xi32>
    %broadcast_in_dim3A_606 = vector.shape_cast %and3A_605 : vector<16xi32> to vector<16x1xi32>
    %gather3A_607 = vector.shape_cast %broadcast_in_dim3A_606 : vector<16x1xi32> to vector<16xi32>
    %gather3A_608 = tpu.dynamic_gather %add3A_599[%gather3A_607] in [0] : vector<16xf32>, vector<16xi32> -> vector<16xf32>
    %add3A_609 = arith.addf %add3A_599, %gather3A_608 : vector<16xf32>
    %jit3A_610 = arith.constant 0.000000e+00 : f32
    %broadcast_in_dim3A_611 = vector.broadcast %jit3A_610 : f32 to vector<16xf32>
    %select_n3A_612 = arith.select %eq3A_569, %add3A_609, %broadcast_in_dim3A_611 : vector<16xi1>, vector<16xf32>
    %add3A_613 = arith.addf %add3A_566, %select_n3A_612 : vector<16xf32>
    %eq3A_614 = arith.constant 12 : i32
    %eq3A_615 = vector.broadcast %eq3A_614 : i32 to vector<16xi32>
    %eq3A_616 = arith.cmpi eq, %iota3A, %eq3A_615 : vector<16xi32>
    %add3A_617 = arith.constant 8 : i32
    %add3A_618 = vector.broadcast %add3A_617 : i32 to vector<16xi32>
    %add3A_619 = arith.addi %iota3A, %add3A_618 : vector<16xi32>
    %and3A_620 = arith.constant 15 : i32
    %and3A_621 = vector.broadcast %and3A_620 : i32 to vector<16xi32>
    %and3A_622 = arith.andi %add3A_619, %and3A_621 : vector<16xi32>
    %broadcast_in_dim3A_623 = vector.shape_cast %and3A_622 : vector<16xi32> to vector<16x1xi32>
    %gather3A_624 = vector.shape_cast %broadcast_in_dim3A_623 : vector<16x1xi32> to vector<16xi32>
    %gather3A_625 = tpu.dynamic_gather %scan3A_54#12[%gather3A_624] in [0] : vector<16xf32>, vector<16xi32> -> vector<16xf32>
    %add3A_626 = arith.addf %scan3A_54#12, %gather3A_625 : vector<16xf32>
    %add3A_627 = arith.constant 4 : i32
    %add3A_628 = vector.broadcast %add3A_627 : i32 to vector<16xi32>
    %add3A_629 = arith.addi %iota3A, %add3A_628 : vector<16xi32>
    %and3A_630 = arith.constant 15 : i32
    %and3A_631 = vector.broadcast %and3A_630 : i32 to vector<16xi32>
    %and3A_632 = arith.andi %add3A_629, %and3A_631 : vector<16xi32>
    %broadcast_in_dim3A_633 = vector.shape_cast %and3A_632 : vector<16xi32> to vector<16x1xi32>
    %gather3A_634 = vector.shape_cast %broadcast_in_dim3A_633 : vector<16x1xi32> to vector<16xi32>
    %gather3A_635 = tpu.dynamic_gather %add3A_626[%gather3A_634] in [0] : vector<16xf32>, vector<16xi32> -> vector<16xf32>
    %add3A_636 = arith.addf %add3A_626, %gather3A_635 : vector<16xf32>
    %add3A_637 = arith.constant 2 : i32
    %add3A_638 = vector.broadcast %add3A_637 : i32 to vector<16xi32>
    %add3A_639 = arith.addi %iota3A, %add3A_638 : vector<16xi32>
    %and3A_640 = arith.constant 15 : i32
    %and3A_641 = vector.broadcast %and3A_640 : i32 to vector<16xi32>
    %and3A_642 = arith.andi %add3A_639, %and3A_641 : vector<16xi32>
    %broadcast_in_dim3A_643 = vector.shape_cast %and3A_642 : vector<16xi32> to vector<16x1xi32>
    %gather3A_644 = vector.shape_cast %broadcast_in_dim3A_643 : vector<16x1xi32> to vector<16xi32>
    %gather3A_645 = tpu.dynamic_gather %add3A_636[%gather3A_644] in [0] : vector<16xf32>, vector<16xi32> -> vector<16xf32>
    %add3A_646 = arith.addf %add3A_636, %gather3A_645 : vector<16xf32>
    %add3A_647 = arith.constant 1 : i32
    %add3A_648 = vector.broadcast %add3A_647 : i32 to vector<16xi32>
    %add3A_649 = arith.addi %iota3A, %add3A_648 : vector<16xi32>
    %and3A_650 = arith.constant 15 : i32
    %and3A_651 = vector.broadcast %and3A_650 : i32 to vector<16xi32>
    %and3A_652 = arith.andi %add3A_649, %and3A_651 : vector<16xi32>
    %broadcast_in_dim3A_653 = vector.shape_cast %and3A_652 : vector<16xi32> to vector<16x1xi32>
    %gather3A_654 = vector.shape_cast %broadcast_in_dim3A_653 : vector<16x1xi32> to vector<16xi32>
    %gather3A_655 = tpu.dynamic_gather %add3A_646[%gather3A_654] in [0] : vector<16xf32>, vector<16xi32> -> vector<16xf32>
    %add3A_656 = arith.addf %add3A_646, %gather3A_655 : vector<16xf32>
    %jit3A_657 = arith.constant 0.000000e+00 : f32
    %broadcast_in_dim3A_658 = vector.broadcast %jit3A_657 : f32 to vector<16xf32>
    %select_n3A_659 = arith.select %eq3A_616, %add3A_656, %broadcast_in_dim3A_658 : vector<16xi1>, vector<16xf32>
    %add3A_660 = arith.addf %add3A_613, %select_n3A_659 : vector<16xf32>
    %eq3A_661 = arith.constant 13 : i32
    %eq3A_662 = vector.broadcast %eq3A_661 : i32 to vector<16xi32>
    %eq3A_663 = arith.cmpi eq, %iota3A, %eq3A_662 : vector<16xi32>
    %add3A_664 = arith.constant 8 : i32
    %add3A_665 = vector.broadcast %add3A_664 : i32 to vector<16xi32>
    %add3A_666 = arith.addi %iota3A, %add3A_665 : vector<16xi32>
    %and3A_667 = arith.constant 15 : i32
    %and3A_668 = vector.broadcast %and3A_667 : i32 to vector<16xi32>
    %and3A_669 = arith.andi %add3A_666, %and3A_668 : vector<16xi32>
    %broadcast_in_dim3A_670 = vector.shape_cast %and3A_669 : vector<16xi32> to vector<16x1xi32>
    %gather3A_671 = vector.shape_cast %broadcast_in_dim3A_670 : vector<16x1xi32> to vector<16xi32>
    %gather3A_672 = tpu.dynamic_gather %scan3A_54#13[%gather3A_671] in [0] : vector<16xf32>, vector<16xi32> -> vector<16xf32>
    %add3A_673 = arith.addf %scan3A_54#13, %gather3A_672 : vector<16xf32>
    %add3A_674 = arith.constant 4 : i32
    %add3A_675 = vector.broadcast %add3A_674 : i32 to vector<16xi32>
    %add3A_676 = arith.addi %iota3A, %add3A_675 : vector<16xi32>
    %and3A_677 = arith.constant 15 : i32
    %and3A_678 = vector.broadcast %and3A_677 : i32 to vector<16xi32>
    %and3A_679 = arith.andi %add3A_676, %and3A_678 : vector<16xi32>
    %broadcast_in_dim3A_680 = vector.shape_cast %and3A_679 : vector<16xi32> to vector<16x1xi32>
    %gather3A_681 = vector.shape_cast %broadcast_in_dim3A_680 : vector<16x1xi32> to vector<16xi32>
    %gather3A_682 = tpu.dynamic_gather %add3A_673[%gather3A_681] in [0] : vector<16xf32>, vector<16xi32> -> vector<16xf32>
    %add3A_683 = arith.addf %add3A_673, %gather3A_682 : vector<16xf32>
    %add3A_684 = arith.constant 2 : i32
    %add3A_685 = vector.broadcast %add3A_684 : i32 to vector<16xi32>
    %add3A_686 = arith.addi %iota3A, %add3A_685 : vector<16xi32>
    %and3A_687 = arith.constant 15 : i32
    %and3A_688 = vector.broadcast %and3A_687 : i32 to vector<16xi32>
    %and3A_689 = arith.andi %add3A_686, %and3A_688 : vector<16xi32>
    %broadcast_in_dim3A_690 = vector.shape_cast %and3A_689 : vector<16xi32> to vector<16x1xi32>
    %gather3A_691 = vector.shape_cast %broadcast_in_dim3A_690 : vector<16x1xi32> to vector<16xi32>
    %gather3A_692 = tpu.dynamic_gather %add3A_683[%gather3A_691] in [0] : vector<16xf32>, vector<16xi32> -> vector<16xf32>
    %add3A_693 = arith.addf %add3A_683, %gather3A_692 : vector<16xf32>
    %add3A_694 = arith.constant 1 : i32
    %add3A_695 = vector.broadcast %add3A_694 : i32 to vector<16xi32>
    %add3A_696 = arith.addi %iota3A, %add3A_695 : vector<16xi32>
    %and3A_697 = arith.constant 15 : i32
    %and3A_698 = vector.broadcast %and3A_697 : i32 to vector<16xi32>
    %and3A_699 = arith.andi %add3A_696, %and3A_698 : vector<16xi32>
    %broadcast_in_dim3A_700 = vector.shape_cast %and3A_699 : vector<16xi32> to vector<16x1xi32>
    %gather3A_701 = vector.shape_cast %broadcast_in_dim3A_700 : vector<16x1xi32> to vector<16xi32>
    %gather3A_702 = tpu.dynamic_gather %add3A_693[%gather3A_701] in [0] : vector<16xf32>, vector<16xi32> -> vector<16xf32>
    %add3A_703 = arith.addf %add3A_693, %gather3A_702 : vector<16xf32>
    %jit3A_704 = arith.constant 0.000000e+00 : f32
    %broadcast_in_dim3A_705 = vector.broadcast %jit3A_704 : f32 to vector<16xf32>
    %select_n3A_706 = arith.select %eq3A_663, %add3A_703, %broadcast_in_dim3A_705 : vector<16xi1>, vector<16xf32>
    %add3A_707 = arith.addf %add3A_660, %select_n3A_706 : vector<16xf32>
    %eq3A_708 = arith.constant 14 : i32
    %eq3A_709 = vector.broadcast %eq3A_708 : i32 to vector<16xi32>
    %eq3A_710 = arith.cmpi eq, %iota3A, %eq3A_709 : vector<16xi32>
    %add3A_711 = arith.constant 8 : i32
    %add3A_712 = vector.broadcast %add3A_711 : i32 to vector<16xi32>
    %add3A_713 = arith.addi %iota3A, %add3A_712 : vector<16xi32>
    %and3A_714 = arith.constant 15 : i32
    %and3A_715 = vector.broadcast %and3A_714 : i32 to vector<16xi32>
    %and3A_716 = arith.andi %add3A_713, %and3A_715 : vector<16xi32>
    %broadcast_in_dim3A_717 = vector.shape_cast %and3A_716 : vector<16xi32> to vector<16x1xi32>
    %gather3A_718 = vector.shape_cast %broadcast_in_dim3A_717 : vector<16x1xi32> to vector<16xi32>
    %gather3A_719 = tpu.dynamic_gather %scan3A_54#14[%gather3A_718] in [0] : vector<16xf32>, vector<16xi32> -> vector<16xf32>
    %add3A_720 = arith.addf %scan3A_54#14, %gather3A_719 : vector<16xf32>
    %add3A_721 = arith.constant 4 : i32
    %add3A_722 = vector.broadcast %add3A_721 : i32 to vector<16xi32>
    %add3A_723 = arith.addi %iota3A, %add3A_722 : vector<16xi32>
    %and3A_724 = arith.constant 15 : i32
    %and3A_725 = vector.broadcast %and3A_724 : i32 to vector<16xi32>
    %and3A_726 = arith.andi %add3A_723, %and3A_725 : vector<16xi32>
    %broadcast_in_dim3A_727 = vector.shape_cast %and3A_726 : vector<16xi32> to vector<16x1xi32>
    %gather3A_728 = vector.shape_cast %broadcast_in_dim3A_727 : vector<16x1xi32> to vector<16xi32>
    %gather3A_729 = tpu.dynamic_gather %add3A_720[%gather3A_728] in [0] : vector<16xf32>, vector<16xi32> -> vector<16xf32>
    %add3A_730 = arith.addf %add3A_720, %gather3A_729 : vector<16xf32>
    %add3A_731 = arith.constant 2 : i32
    %add3A_732 = vector.broadcast %add3A_731 : i32 to vector<16xi32>
    %add3A_733 = arith.addi %iota3A, %add3A_732 : vector<16xi32>
    %and3A_734 = arith.constant 15 : i32
    %and3A_735 = vector.broadcast %and3A_734 : i32 to vector<16xi32>
    %and3A_736 = arith.andi %add3A_733, %and3A_735 : vector<16xi32>
    %broadcast_in_dim3A_737 = vector.shape_cast %and3A_736 : vector<16xi32> to vector<16x1xi32>
    %gather3A_738 = vector.shape_cast %broadcast_in_dim3A_737 : vector<16x1xi32> to vector<16xi32>
    %gather3A_739 = tpu.dynamic_gather %add3A_730[%gather3A_738] in [0] : vector<16xf32>, vector<16xi32> -> vector<16xf32>
    %add3A_740 = arith.addf %add3A_730, %gather3A_739 : vector<16xf32>
    %add3A_741 = arith.constant 1 : i32
    %add3A_742 = vector.broadcast %add3A_741 : i32 to vector<16xi32>
    %add3A_743 = arith.addi %iota3A, %add3A_742 : vector<16xi32>
    %and3A_744 = arith.constant 15 : i32
    %and3A_745 = vector.broadcast %and3A_744 : i32 to vector<16xi32>
    %and3A_746 = arith.andi %add3A_743, %and3A_745 : vector<16xi32>
    %broadcast_in_dim3A_747 = vector.shape_cast %and3A_746 : vector<16xi32> to vector<16x1xi32>
    %gather3A_748 = vector.shape_cast %broadcast_in_dim3A_747 : vector<16x1xi32> to vector<16xi32>
    %gather3A_749 = tpu.dynamic_gather %add3A_740[%gather3A_748] in [0] : vector<16xf32>, vector<16xi32> -> vector<16xf32>
    %add3A_750 = arith.addf %add3A_740, %gather3A_749 : vector<16xf32>
    %jit3A_751 = arith.constant 0.000000e+00 : f32
    %broadcast_in_dim3A_752 = vector.broadcast %jit3A_751 : f32 to vector<16xf32>
    %select_n3A_753 = arith.select %eq3A_710, %add3A_750, %broadcast_in_dim3A_752 : vector<16xi1>, vector<16xf32>
    %add3A_754 = arith.addf %add3A_707, %select_n3A_753 : vector<16xf32>
    %eq3A_755 = arith.constant 15 : i32
    %eq3A_756 = vector.broadcast %eq3A_755 : i32 to vector<16xi32>
    %eq3A_757 = arith.cmpi eq, %iota3A, %eq3A_756 : vector<16xi32>
    %add3A_758 = arith.constant 8 : i32
    %add3A_759 = vector.broadcast %add3A_758 : i32 to vector<16xi32>
    %add3A_760 = arith.addi %iota3A, %add3A_759 : vector<16xi32>
    %and3A_761 = arith.constant 15 : i32
    %and3A_762 = vector.broadcast %and3A_761 : i32 to vector<16xi32>
    %and3A_763 = arith.andi %add3A_760, %and3A_762 : vector<16xi32>
    %broadcast_in_dim3A_764 = vector.shape_cast %and3A_763 : vector<16xi32> to vector<16x1xi32>
    %gather3A_765 = vector.shape_cast %broadcast_in_dim3A_764 : vector<16x1xi32> to vector<16xi32>
    %gather3A_766 = tpu.dynamic_gather %scan3A_54#15[%gather3A_765] in [0] : vector<16xf32>, vector<16xi32> -> vector<16xf32>
    %add3A_767 = arith.addf %scan3A_54#15, %gather3A_766 : vector<16xf32>
    %add3A_768 = arith.constant 4 : i32
    %add3A_769 = vector.broadcast %add3A_768 : i32 to vector<16xi32>
    %add3A_770 = arith.addi %iota3A, %add3A_769 : vector<16xi32>
    %and3A_771 = arith.constant 15 : i32
    %and3A_772 = vector.broadcast %and3A_771 : i32 to vector<16xi32>
    %and3A_773 = arith.andi %add3A_770, %and3A_772 : vector<16xi32>
    %broadcast_in_dim3A_774 = vector.shape_cast %and3A_773 : vector<16xi32> to vector<16x1xi32>
    %gather3A_775 = vector.shape_cast %broadcast_in_dim3A_774 : vector<16x1xi32> to vector<16xi32>
    %gather3A_776 = tpu.dynamic_gather %add3A_767[%gather3A_775] in [0] : vector<16xf32>, vector<16xi32> -> vector<16xf32>
    %add3A_777 = arith.addf %add3A_767, %gather3A_776 : vector<16xf32>
    %add3A_778 = arith.constant 2 : i32
    %add3A_779 = vector.broadcast %add3A_778 : i32 to vector<16xi32>
    %add3A_780 = arith.addi %iota3A, %add3A_779 : vector<16xi32>
    %and3A_781 = arith.constant 15 : i32
    %and3A_782 = vector.broadcast %and3A_781 : i32 to vector<16xi32>
    %and3A_783 = arith.andi %add3A_780, %and3A_782 : vector<16xi32>
    %broadcast_in_dim3A_784 = vector.shape_cast %and3A_783 : vector<16xi32> to vector<16x1xi32>
    %gather3A_785 = vector.shape_cast %broadcast_in_dim3A_784 : vector<16x1xi32> to vector<16xi32>
    %gather3A_786 = tpu.dynamic_gather %add3A_777[%gather3A_785] in [0] : vector<16xf32>, vector<16xi32> -> vector<16xf32>
    %add3A_787 = arith.addf %add3A_777, %gather3A_786 : vector<16xf32>
    %add3A_788 = arith.constant 1 : i32
    %add3A_789 = vector.broadcast %add3A_788 : i32 to vector<16xi32>
    %add3A_790 = arith.addi %iota3A, %add3A_789 : vector<16xi32>
    %and3A_791 = arith.constant 15 : i32
    %and3A_792 = vector.broadcast %and3A_791 : i32 to vector<16xi32>
    %and3A_793 = arith.andi %add3A_790, %and3A_792 : vector<16xi32>
    %broadcast_in_dim3A_794 = vector.shape_cast %and3A_793 : vector<16xi32> to vector<16x1xi32>
    %gather3A_795 = vector.shape_cast %broadcast_in_dim3A_794 : vector<16x1xi32> to vector<16xi32>
    %gather3A_796 = tpu.dynamic_gather %add3A_787[%gather3A_795] in [0] : vector<16xf32>, vector<16xi32> -> vector<16xf32>
    %add3A_797 = arith.addf %add3A_787, %gather3A_796 : vector<16xf32>
    %jit3A_798 = arith.constant 0.000000e+00 : f32
    %broadcast_in_dim3A_799 = vector.broadcast %jit3A_798 : f32 to vector<16xf32>
    %select_n3A_800 = arith.select %eq3A_757, %add3A_797, %broadcast_in_dim3A_799 : vector<16xi1>, vector<16xf32>
    %add3A_801 = arith.addf %add3A_754, %select_n3A_800 : vector<16xf32>
    %swap3A = arith.constant 0 : index
    %swap3A_802 = tpu.vector_load %arg7[%swap3A] {strides = array<i32>} : memref<16xf32, #tpu.memory_space<vmem>>, vector<16xf32>,
    %swap3A_803 = vector.shape_cast %swap3A_802 : vector<16xf32> to vector<16xf32>
    %swap3A_804 = vector.shape_cast %add3A_801 : vector<16xf32> to vector<16xf32>
    tpu.vector_store %arg7[%swap3A], %swap3A_804 {strides = array<i32>} : memref<16xf32, #tpu.memory_space<vmem>>, vector<16xf32>,
    %mul3A_805 = arith.constant 16 : i32
    %mul3A_806 = arith.muli %arg1, %mul3A_805 : i32
    "tpu.region"() ({
      %run_scoped3A = tpu.sem_alloc : memref<!tpu.dma_semaphore, #tpu.memory_space<semaphore_mem>>
      %dma_start3A_810 = tpu.memref_slice %arg10[%mul3A_806] : memref<256xf32, #tpu.memory_space<vmem_shared>> -> memref<16xf32, #tpu.memory_space<vmem_shared>>
      %dma_start3A_811 = tpu.memref_slice %arg10[%mul3A_806] : memref<256xf32, #tpu.memory_space<vmem_shared>> -> memref<16xf32, #tpu.memory_space<vmem_shared>>
      tpu.enqueue_dma source(%arg7 : memref<16xf32, #tpu.memory_space<vmem>>) target(%dma_start3A_811 : memref<16xf32, #tpu.memory_space<vmem_shared>>) target_semaphore(%run_scoped3A : memref<!tpu.dma_semaphore, #tpu.memory_space<semaphore_mem>>)
      %dma_wait3A_812 = tpu.memref_slice %arg10[%mul3A_806] : memref<256xf32, #tpu.memory_space<vmem_shared>> -> memref<16xf32, #tpu.memory_space<vmem_shared>>
      %dma_wait3A_813 = tpu.memref_slice %arg10[%mul3A_806] : memref<256xf32, #tpu.memory_space<vmem_shared>> -> memref<16xf32, #tpu.memory_space<vmem_shared>>
      tpu.wait_dma2 semaphore(%run_scoped3A : memref<!tpu.dma_semaphore, #tpu.memory_space<semaphore_mem>>) src(%arg7 : memref<16xf32, #tpu.memory_space<vmem>>) dst(%dma_wait3A_813 : memref<16xf32, #tpu.memory_space<vmem_shared>>)
      tpu.yield
    }) : () -> ()
    %barrier3A = arith.constant 0 : index
    tpu.barrier barrier_id(%barrier3A)
    %eq3A_807 = arith.constant 0 : i32
    %eq3A_808 = arith.cmpi eq, %arg1, %eq3A_807 : i32
    %convert_element_type3A = arith.extui %eq3A_808 : i1 to i32
    %cond3A = arith.constant 0 : i32
    %cond3A_809 = arith.cmpi ne, %convert_element_type3A, %cond3A : i32
    scf.if %cond3A_809 {
      "tpu.region"() ({
        %run_scoped3A = tpu.sem_alloc : memref<!tpu.dma_semaphore, #tpu.memory_space<semaphore_mem>>
        tpu.enqueue_dma source(%arg10 : memref<256xf32, #tpu.memory_space<vmem_shared>>) target(%arg8 : memref<256xf32, #tpu.memory_space<vmem>>) target_semaphore(%run_scoped3A : memref<!tpu.dma_semaphore, #tpu.memory_space<semaphore_mem>>)
        tpu.wait_dma2 semaphore(%run_scoped3A : memref<!tpu.dma_semaphore, #tpu.memory_space<semaphore_mem>>) src(%arg10 : memref<256xf32, #tpu.memory_space<vmem_shared>>) dst(%arg8 : memref<256xf32, #tpu.memory_space<vmem>>)
        tpu.yield
      }) : () -> ()
      %get3A_810 = arith.constant 0 : index
      %get3A_811 = tpu.vector_load %arg8[%get3A_810] {strides = array<i32>} : memref<256xf32, #tpu.memory_space<vmem>>, vector<16xf32>,
      %get3A_812 = vector.shape_cast %get3A_811 : vector<16xf32> to vector<16xf32>
      %get3A_813 = arith.constant 16 : index
      %get3A_814 = tpu.vector_load %arg8[%get3A_813] {strides = array<i32>} : memref<256xf32, #tpu.memory_space<vmem>>, vector<16xf32>,
      %get3A_815 = vector.shape_cast %get3A_814 : vector<16xf32> to vector<16xf32>
      %add3A_816 = arith.addf %get3A_812, %get3A_815 : vector<16xf32>
      %get3A_817 = arith.constant 32 : index
      %get3A_818 = tpu.vector_load %arg8[%get3A_817] {strides = array<i32>} : memref<256xf32, #tpu.memory_space<vmem>>, vector<16xf32>,
      %get3A_819 = vector.shape_cast %get3A_818 : vector<16xf32> to vector<16xf32>
      %add3A_820 = arith.addf %add3A_816, %get3A_819 : vector<16xf32>
      %get3A_821 = arith.constant 48 : index
      %get3A_822 = tpu.vector_load %arg8[%get3A_821] {strides = array<i32>} : memref<256xf32, #tpu.memory_space<vmem>>, vector<16xf32>,
      %get3A_823 = vector.shape_cast %get3A_822 : vector<16xf32> to vector<16xf32>
      %add3A_824 = arith.addf %add3A_820, %get3A_823 : vector<16xf32>
      %get3A_825 = arith.constant 64 : index
      %get3A_826 = tpu.vector_load %arg8[%get3A_825] {strides = array<i32>} : memref<256xf32, #tpu.memory_space<vmem>>, vector<16xf32>,
      %get3A_827 = vector.shape_cast %get3A_826 : vector<16xf32> to vector<16xf32>
      %add3A_828 = arith.addf %add3A_824, %get3A_827 : vector<16xf32>
      %get3A_829 = arith.constant 80 : index
      %get3A_830 = tpu.vector_load %arg8[%get3A_829] {strides = array<i32>} : memref<256xf32, #tpu.memory_space<vmem>>, vector<16xf32>,
      %get3A_831 = vector.shape_cast %get3A_830 : vector<16xf32> to vector<16xf32>
      %add3A_832 = arith.addf %add3A_828, %get3A_831 : vector<16xf32>
      %get3A_833 = arith.constant 96 : index
      %get3A_834 = tpu.vector_load %arg8[%get3A_833] {strides = array<i32>} : memref<256xf32, #tpu.memory_space<vmem>>, vector<16xf32>,
      %get3A_835 = vector.shape_cast %get3A_834 : vector<16xf32> to vector<16xf32>
      %add3A_836 = arith.addf %add3A_832, %get3A_835 : vector<16xf32>
      %get3A_837 = arith.constant 112 : index
      %get3A_838 = tpu.vector_load %arg8[%get3A_837] {strides = array<i32>} : memref<256xf32, #tpu.memory_space<vmem>>, vector<16xf32>,
      %get3A_839 = vector.shape_cast %get3A_838 : vector<16xf32> to vector<16xf32>
      %add3A_840 = arith.addf %add3A_836, %get3A_839 : vector<16xf32>
      %get3A_841 = arith.constant 128 : index
      %get3A_842 = tpu.vector_load %arg8[%get3A_841] {strides = array<i32>} : memref<256xf32, #tpu.memory_space<vmem>>, vector<16xf32>,
      %get3A_843 = vector.shape_cast %get3A_842 : vector<16xf32> to vector<16xf32>
      %add3A_844 = arith.addf %add3A_840, %get3A_843 : vector<16xf32>
      %get3A_845 = arith.constant 144 : index
      %get3A_846 = tpu.vector_load %arg8[%get3A_845] {strides = array<i32>} : memref<256xf32, #tpu.memory_space<vmem>>, vector<16xf32>,
      %get3A_847 = vector.shape_cast %get3A_846 : vector<16xf32> to vector<16xf32>
      %add3A_848 = arith.addf %add3A_844, %get3A_847 : vector<16xf32>
      %get3A_849 = arith.constant 160 : index
      %get3A_850 = tpu.vector_load %arg8[%get3A_849] {strides = array<i32>} : memref<256xf32, #tpu.memory_space<vmem>>, vector<16xf32>,
      %get3A_851 = vector.shape_cast %get3A_850 : vector<16xf32> to vector<16xf32>
      %add3A_852 = arith.addf %add3A_848, %get3A_851 : vector<16xf32>
      %get3A_853 = arith.constant 176 : index
      %get3A_854 = tpu.vector_load %arg8[%get3A_853] {strides = array<i32>} : memref<256xf32, #tpu.memory_space<vmem>>, vector<16xf32>,
      %get3A_855 = vector.shape_cast %get3A_854 : vector<16xf32> to vector<16xf32>
      %add3A_856 = arith.addf %add3A_852, %get3A_855 : vector<16xf32>
      %get3A_857 = arith.constant 192 : index
      %get3A_858 = tpu.vector_load %arg8[%get3A_857] {strides = array<i32>} : memref<256xf32, #tpu.memory_space<vmem>>, vector<16xf32>,
      %get3A_859 = vector.shape_cast %get3A_858 : vector<16xf32> to vector<16xf32>
      %add3A_860 = arith.addf %add3A_856, %get3A_859 : vector<16xf32>
      %get3A_861 = arith.constant 208 : index
      %get3A_862 = tpu.vector_load %arg8[%get3A_861] {strides = array<i32>} : memref<256xf32, #tpu.memory_space<vmem>>, vector<16xf32>,
      %get3A_863 = vector.shape_cast %get3A_862 : vector<16xf32> to vector<16xf32>
      %add3A_864 = arith.addf %add3A_860, %get3A_863 : vector<16xf32>
      %get3A_865 = arith.constant 224 : index
      %get3A_866 = tpu.vector_load %arg8[%get3A_865] {strides = array<i32>} : memref<256xf32, #tpu.memory_space<vmem>>, vector<16xf32>,
      %get3A_867 = vector.shape_cast %get3A_866 : vector<16xf32> to vector<16xf32>
      %add3A_868 = arith.addf %add3A_864, %get3A_867 : vector<16xf32>
      %get3A_869 = arith.constant 240 : index
      %get3A_870 = tpu.vector_load %arg8[%get3A_869] {strides = array<i32>} : memref<256xf32, #tpu.memory_space<vmem>>, vector<16xf32>,
      %get3A_871 = vector.shape_cast %get3A_870 : vector<16xf32> to vector<16xf32>
      %add3A_872 = arith.addf %add3A_868, %get3A_871 : vector<16xf32>
      %swap3A_873 = arith.constant 0 : index
      %swap3A_874 = tpu.vector_load %arg9[%swap3A_873] {strides = array<i32>} : memref<16xf32, #tpu.memory_space<vmem>>, vector<16xf32>,
      %swap3A_875 = vector.shape_cast %swap3A_874 : vector<16xf32> to vector<16xf32>
      %swap3A_876 = vector.shape_cast %add3A_872 : vector<16xf32> to vector<16xf32>
      tpu.vector_store %arg9[%swap3A_873], %swap3A_876 {strides = array<i32>} : memref<16xf32, #tpu.memory_space<vmem>>, vector<16xf32>,
      "tpu.region"() ({
        %run_scoped3A = tpu.sem_alloc : memref<!tpu.dma_semaphore, #tpu.memory_space<semaphore_mem>>
        tpu.enqueue_dma source(%arg9 : memref<16xf32, #tpu.memory_space<vmem>>) target(%arg4 : memref<16xf32, #tpu.memory_space<hbm>>) target_semaphore(%run_scoped3A : memref<!tpu.dma_semaphore, #tpu.memory_space<semaphore_mem>>)
        tpu.wait_dma2 semaphore(%run_scoped3A : memref<!tpu.dma_semaphore, #tpu.memory_space<semaphore_mem>>) src(%arg9 : memref<16xf32, #tpu.memory_space<vmem>>) dst(%arg4 : memref<16xf32, #tpu.memory_space<hbm>>)
        tpu.yield
      }) : () -> ()
    } else {
    }
    return
  }
}

module attributes {stable_mosaic.version = 14 : i64} {
  func.func @_tc_kernel(%arg0: i32, %arg1: memref<2048x128xf32, #tpu.memory_space<vmem>>, %arg2: memref<16x128xi32, #tpu.memory_space<vmem>>, %arg3: memref<1x16xi32, #tpu.memory_space<vmem>>, %arg4: memref<1x16xi32, #tpu.memory_space<vmem>>, %arg5: memref<128x64xf32, #tpu.memory_space<vmem>>, %arg6: memref<1x64xf32, #tpu.memory_space<vmem>>, %arg7: memref<16x1xf32, #tpu.memory_space<vmem>>) attributes {dimension_semantics = [#tpu.dimension_semantics<arbitrary>], iteration_bounds = array<i64: 16>, scalar_prefetch = 0 : i64, scratch_operands = 0 : i64, tpu.core_type = #tpu.core_type<tc>, window_params = [{transform_indices = @transform_0, window_bounds = array<i64: 2048, 128>}, {transform_indices = @transform_1, window_bounds = array<i64: 16, 128>}, {pipeline_mode = #tpu.pipeline_mode<synchronous>, transform_indices = @transform_2, window_bounds = array<i64: 1, 16>}, {pipeline_mode = #tpu.pipeline_mode<synchronous>, transform_indices = @transform_3, window_bounds = array<i64: 1, 16>}, {pipeline_mode = #tpu.pipeline_mode<synchronous>, transform_indices = @transform_4, window_bounds = array<i64: 128, 64>}, {pipeline_mode = #tpu.pipeline_mode<synchronous>, transform_indices = @transform_5, window_bounds = array<i64: 1, 64>}, {pipeline_mode = #tpu.pipeline_mode<synchronous>, transform_indices = @transform_6, window_bounds = array<i64: 16, 1>}]} {
    %get3A = arith.constant 0 : index
    %get3A_0 = arith.constant 0 : index
    %get3A_1 = vector.load %arg1[%get3A, %get3A_0] : memref<2048x128xf32, #tpu.memory_space<vmem>>, vector<2048x128xf32>
    %get3A_2 = arith.constant 0 : index
    %get3A_3 = arith.constant 0 : index
    %get3A_4 = vector.load %arg5[%get3A_2, %get3A_3] : memref<128x64xf32, #tpu.memory_space<vmem>>, vector<128x64xf32>
    %dot_general3A = arith.constant dense<0.000000e+00> : vector<2048x64xf32>
    %dot_general3A_5 = tpu.matmul %get3A_1, %get3A_4, %dot_general3A {dimension_numbers = #tpu.dot_dimension_numbers<[1], [0], [0], [1], [0, 0, 1, 1], [], []>, transpose_lhs_hint = false} : vector<2048x128xf32>, vector<128x64xf32>, vector<2048x64xf32> -> vector<2048x64xf32>
    %get3A_6 = arith.constant 0 : index
    %get3A_7 = arith.constant 0 : index
    %get3A_8 = vector.load %arg6[%get3A_6, %get3A_7] : memref<1x64xf32, #tpu.memory_space<vmem>>, vector<1x64xf32>
    %add3A = vector.broadcast %get3A_8 : vector<1x64xf32> to vector<2048x64xf32>
    %add3A_9 = arith.addf %dot_general3A_5, %add3A : vector<2048x64xf32>
    %exp3A = math.exp %add3A_9 : vector<2048x64xf32>
    %get3A_10 = arith.constant 0 : index
    %get3A_11 = arith.constant 0 : index
    %get3A_12 = vector.load %arg2[%get3A_10, %get3A_11] : memref<16x128xi32, #tpu.memory_space<vmem>>, vector<16x128xi32>
    %transpose3A = tpu.transpose %get3A_12, [1, 0] : vector<16x128xi32> -> vector<128x16xi32>
    %slice3A = vector.extract_strided_slice %transpose3A {offsets = [0, 0], sizes = [128, 1], strides = [1, 1]} : vector<128x16xi32> to vector<128x1xi32>
    %slice3A_13 = vector.extract_strided_slice %transpose3A {offsets = [0, 1], sizes = [128, 1], strides = [1, 1]} : vector<128x16xi32> to vector<128x1xi32>
    %slice3A_14 = vector.extract_strided_slice %transpose3A {offsets = [0, 2], sizes = [128, 1], strides = [1, 1]} : vector<128x16xi32> to vector<128x1xi32>
    %slice3A_15 = vector.extract_strided_slice %transpose3A {offsets = [0, 3], sizes = [128, 1], strides = [1, 1]} : vector<128x16xi32> to vector<128x1xi32>
    %slice3A_16 = vector.extract_strided_slice %transpose3A {offsets = [0, 4], sizes = [128, 1], strides = [1, 1]} : vector<128x16xi32> to vector<128x1xi32>
    %slice3A_17 = vector.extract_strided_slice %transpose3A {offsets = [0, 5], sizes = [128, 1], strides = [1, 1]} : vector<128x16xi32> to vector<128x1xi32>
    %slice3A_18 = vector.extract_strided_slice %transpose3A {offsets = [0, 6], sizes = [128, 1], strides = [1, 1]} : vector<128x16xi32> to vector<128x1xi32>
    %slice3A_19 = vector.extract_strided_slice %transpose3A {offsets = [0, 7], sizes = [128, 1], strides = [1, 1]} : vector<128x16xi32> to vector<128x1xi32>
    %slice3A_20 = vector.extract_strided_slice %transpose3A {offsets = [0, 8], sizes = [128, 1], strides = [1, 1]} : vector<128x16xi32> to vector<128x1xi32>
    %slice3A_21 = vector.extract_strided_slice %transpose3A {offsets = [0, 9], sizes = [128, 1], strides = [1, 1]} : vector<128x16xi32> to vector<128x1xi32>
    %slice3A_22 = vector.extract_strided_slice %transpose3A {offsets = [0, 10], sizes = [128, 1], strides = [1, 1]} : vector<128x16xi32> to vector<128x1xi32>
    %slice3A_23 = vector.extract_strided_slice %transpose3A {offsets = [0, 11], sizes = [128, 1], strides = [1, 1]} : vector<128x16xi32> to vector<128x1xi32>
    %slice3A_24 = vector.extract_strided_slice %transpose3A {offsets = [0, 12], sizes = [128, 1], strides = [1, 1]} : vector<128x16xi32> to vector<128x1xi32>
    %slice3A_25 = vector.extract_strided_slice %transpose3A {offsets = [0, 13], sizes = [128, 1], strides = [1, 1]} : vector<128x16xi32> to vector<128x1xi32>
    %slice3A_26 = vector.extract_strided_slice %transpose3A {offsets = [0, 14], sizes = [128, 1], strides = [1, 1]} : vector<128x16xi32> to vector<128x1xi32>
    %slice3A_27 = vector.extract_strided_slice %transpose3A {offsets = [0, 15], sizes = [128, 1], strides = [1, 1]} : vector<128x16xi32> to vector<128x1xi32>
    %concatenate3A = tpu.concatenate %slice3A, %slice3A_13, %slice3A_14, %slice3A_15, %slice3A_16, %slice3A_17, %slice3A_18, %slice3A_19, %slice3A_20, %slice3A_21, %slice3A_22, %slice3A_23, %slice3A_24, %slice3A_25, %slice3A_26, %slice3A_27 in 0 : vector<128x1xi32>, vector<128x1xi32>, vector<128x1xi32>, vector<128x1xi32>, vector<128x1xi32>, vector<128x1xi32>, vector<128x1xi32>, vector<128x1xi32>, vector<128x1xi32>, vector<128x1xi32>, vector<128x1xi32>, vector<128x1xi32>, vector<128x1xi32>, vector<128x1xi32>, vector<128x1xi32>, vector<128x1xi32> -> vector<2048x1xi32>
    %iota3A = tpu.iota {dimensions = array<i32: 1>} : vector<2048x64xi32>
    %eq3A = vector.broadcast %concatenate3A : vector<2048x1xi32> to vector<2048x64xi32>
    %eq3A_28 = arith.cmpi eq, %iota3A, %eq3A : vector<2048x64xi32>
    %jit3A = arith.constant 0.000000e+00 : f32
    %broadcast_in_dim3A = vector.broadcast %jit3A : f32 to vector<2048x64xf32>
    %select_n3A = arith.select %eq3A_28, %add3A_9, %broadcast_in_dim3A : vector<2048x64xi1>, vector<2048x64xf32>
    %broadcast_in_dim3A_29 = arith.constant 1.000000e+00 : f32
    %broadcast_in_dim3A_30 = vector.broadcast %broadcast_in_dim3A_29 : f32 to vector<64x1xf32>
    %dot_general3A_31 = arith.constant dense<0.000000e+00> : vector<2048x1xf32>
    %dot_general3A_32 = tpu.matmul %exp3A, %broadcast_in_dim3A_30, %dot_general3A_31 {dimension_numbers = #tpu.dot_dimension_numbers<[1], [0], [0], [1], [0, 0, 1, 1], [], []>, transpose_lhs_hint = false} : vector<2048x64xf32>, vector<64x1xf32>, vector<2048x1xf32> -> vector<2048x1xf32>
    %dot_general3A_33 = arith.constant dense<0.000000e+00> : vector<2048x1xf32>
    %dot_general3A_34 = tpu.matmul %select_n3A, %broadcast_in_dim3A_30, %dot_general3A_33 {dimension_numbers = #tpu.dot_dimension_numbers<[1], [0], [0], [1], [0, 0, 1, 1], [], []>, transpose_lhs_hint = false} : vector<2048x64xf32>, vector<64x1xf32>, vector<2048x1xf32> -> vector<2048x1xf32>
    %log3A = math.log %dot_general3A_32 : vector<2048x1xf32>
    %sub3A = arith.subf %dot_general3A_34, %log3A : vector<2048x1xf32>
    %mul3A = arith.constant 2048 : i32
    %mul3A_35 = arith.muli %arg0, %mul3A : i32
    %iota3A_36 = tpu.iota {dimensions = array<i32: 0>} : vector<2048x1xi32>
    %add3A_37 = vector.broadcast %mul3A_35 : i32 to vector<2048x1xi32>
    %add3A_38 = arith.addi %add3A_37, %iota3A_36 : vector<2048x1xi32>
    %get3A_39 = arith.constant 0 : index
    %get3A_40 = arith.constant 0 : index
    %get3A_41 = vector.load %arg3[%get3A_39, %get3A_40] : memref<1x16xi32, #tpu.memory_space<vmem>>, vector<1x16xi32>
    %get3A_42 = arith.constant 0 : index
    %get3A_43 = arith.constant 0 : index
    %get3A_44 = vector.load %arg4[%get3A_42, %get3A_43] : memref<1x16xi32, #tpu.memory_space<vmem>>, vector<1x16xi32>
    %ge3A = vector.broadcast %add3A_38 : vector<2048x1xi32> to vector<2048x16xi32>
    %ge3A_45 = vector.broadcast %get3A_41 : vector<1x16xi32> to vector<2048x16xi32>
    %ge3A_46 = arith.cmpi sge, %ge3A, %ge3A_45 : vector<2048x16xi32>
    %lt3A = vector.broadcast %add3A_38 : vector<2048x1xi32> to vector<2048x16xi32>
    %lt3A_47 = vector.broadcast %get3A_44 : vector<1x16xi32> to vector<2048x16xi32>
    %lt3A_48 = arith.cmpi slt, %lt3A, %lt3A_47 : vector<2048x16xi32>
    %and3A = arith.andi %ge3A_46, %lt3A_48 : vector<2048x16xi1>
    %add3A_49 = arith.constant 1 : i32
    %add3A_50 = vector.broadcast %add3A_49 : i32 to vector<2048x1xi32>
    %add3A_51 = arith.addi %add3A_38, %add3A_50 : vector<2048x1xi32>
    %ne3A = vector.broadcast %add3A_51 : vector<2048x1xi32> to vector<2048x16xi32>
    %ne3A_52 = vector.broadcast %get3A_44 : vector<1x16xi32> to vector<2048x16xi32>
    %ne3A_53 = arith.cmpi ne, %ne3A, %ne3A_52 : vector<2048x16xi32>
    %and3A_54 = arith.andi %and3A, %ne3A_53 : vector<2048x16xi1>
    %convert_element_type3A = arith.extui %and3A_54 : vector<2048x16xi1> to vector<2048x16xi32>
    %convert_element_type3A_55 = arith.sitofp %convert_element_type3A : vector<2048x16xi32> to vector<2048x16xf32>
    %dot_general3A_56 = arith.constant dense<0.000000e+00> : vector<16x1xf32>
    %dot_general3A_57 = tpu.matmul %convert_element_type3A_55, %sub3A, %dot_general3A_56 {dimension_numbers = #tpu.dot_dimension_numbers<[0], [0], [1], [1], [0, 1, 1, 1], [], []>, transpose_lhs_hint = false} : vector<2048x16xf32>, vector<2048x1xf32>, vector<16x1xf32> -> vector<16x1xf32>
    %eq3A_58 = arith.constant 0 : i32
    %eq3A_59 = arith.cmpi eq, %arg0, %eq3A_58 : i32
    %convert_element_type3A_60 = arith.extui %eq3A_59 : i1 to i32
    %cond3A = arith.constant 0 : i32
    %cond3A_61 = arith.cmpi ne, %convert_element_type3A_60, %cond3A : i32
    scf.if %cond3A_61 {
      %broadcast_in_dim3A_68 = arith.constant 0.000000e+00 : f32
      %broadcast_in_dim3A_69 = vector.broadcast %broadcast_in_dim3A_68 : f32 to vector<16x1xf32>
      %swap3A_70 = arith.constant 0 : index
      %swap3A_71 = arith.constant 0 : index
      %swap3A_72 = vector.load %arg7[%swap3A_70, %swap3A_71] : memref<16x1xf32, #tpu.memory_space<vmem>>, vector<16x1xf32>
      tpu.vector_store %arg7[%swap3A_70, %swap3A_71], %broadcast_in_dim3A_69 {strides = array<i32>} : memref<16x1xf32, #tpu.memory_space<vmem>>, vector<16x1xf32>,
    } else {
    }
    %get3A_62 = arith.constant 0 : index
    %get3A_63 = arith.constant 0 : index
    %get3A_64 = vector.load %arg7[%get3A_62, %get3A_63] : memref<16x1xf32, #tpu.memory_space<vmem>>, vector<16x1xf32>
    %add3A_65 = arith.addf %get3A_64, %dot_general3A_57 : vector<16x1xf32>
    %swap3A = arith.constant 0 : index
    %swap3A_66 = arith.constant 0 : index
    %swap3A_67 = vector.load %arg7[%swap3A, %swap3A_66] : memref<16x1xf32, #tpu.memory_space<vmem>>, vector<16x1xf32>
    tpu.vector_store %arg7[%swap3A, %swap3A_66], %add3A_65 {strides = array<i32>} : memref<16x1xf32, #tpu.memory_space<vmem>>, vector<16x1xf32>,
    return
  }
  func.func @transform_0(%arg0: i32) -> (i32, i32) {
    %c0_i32 = arith.constant 0 : i32
    %c0_i32_0 = arith.constant 0 : i32
    return %arg0, %c0_i32 : i32, i32
  }
  func.func @transform_1(%arg0: i32) -> (i32, i32) {
    %c0_i32 = arith.constant 0 : i32
    %c0_i32_0 = arith.constant 0 : i32
    return %arg0, %c0_i32 : i32, i32
  }
  func.func @transform_2(%arg0: i32) -> (i32, i32) {
    %c0_i32 = arith.constant 0 : i32
    %c0_i32_0 = arith.constant 0 : i32
    %c0_i32_1 = arith.constant 0 : i32
    return %c0_i32, %c0_i32_0 : i32, i32
  }
  func.func @transform_3(%arg0: i32) -> (i32, i32) {
    %c0_i32 = arith.constant 0 : i32
    %c0_i32_0 = arith.constant 0 : i32
    %c0_i32_1 = arith.constant 0 : i32
    return %c0_i32, %c0_i32_0 : i32, i32
  }
  func.func @transform_4(%arg0: i32) -> (i32, i32) {
    %c0_i32 = arith.constant 0 : i32
    %c0_i32_0 = arith.constant 0 : i32
    %c0_i32_1 = arith.constant 0 : i32
    return %c0_i32, %c0_i32_0 : i32, i32
  }
  func.func @transform_5(%arg0: i32) -> (i32, i32) {
    %c0_i32 = arith.constant 0 : i32
    %c0_i32_0 = arith.constant 0 : i32
    %c0_i32_1 = arith.constant 0 : i32
    return %c0_i32, %c0_i32_0 : i32, i32
  }
  func.func @transform_6(%arg0: i32) -> (i32, i32) {
    %c0_i32 = arith.constant 0 : i32
    %c0_i32_0 = arith.constant 0 : i32
    %c0_i32_1 = arith.constant 0 : i32
    return %c0_i32, %c0_i32_0 : i32, i32
  }
}

</mosaic_0001>

<sc_bundles>
// kernel: kernel.4.cloned.1.call-start
scs
__scs_entry_jumppad:
0x0: {  	(pc) =	sbr.rel $0x88, $3  }
0x1: {  	(tag) =	ssettag $0x0;
	lr =	simm.s32 $0x1  }
0x2: {  	[smem:$0x3F9A] =	sst lr;
	_ =	strace $0xD0000000  }
0x3: {  	_ = 	snop  }
0x4: {  	_ = 	snop  }
0x5: {  	_ = 	snop  }
0x6: {  	_ = 	snop  }
0x7: {  	_ = 	snop  }
__scs_overlays_trampoline_lowered:
0x8: {  	[smem:$0x3FA9] =	sst s0  }
0x9: {  	[smem:$0x3FAA] =	sst s1  }
0xa: {  	[smem:$0x3FAB] =	sst s2  }
0xb: {  	[smem:$0x3FAC] =	sst s3  }
0xc: {  	[smem:$0x3FAD] =	sst s4  }
0xd: {  	[smem:$0x3FAE] =	sst s5  }
0xe: {  	[smem:$0x3FAF] =	sst s6  }
0xf: {  	[smem:$0x3FB0] =	sst s7  }
0x10: {  	[smem:$0x3FB1] =	sst s8  }
0x11: {  	[smem:$0x3FB2] =	sst s9;
	s0 =	simm.s32 @!p0 $0x0  }
0x12: {  	s1 =	sld [smem:$0x3F98];
	s0 =	simm.s32 @p0 $0x1  }
0x13: {  	[smem:$0x3FB3] =	sst s0;
	s0 =	simm.s32 @!p1 $0x0  }
0x14: {  	s2 =	sld [smem:$0x3F97];
	s0 =	simm.s32 @p1 $0x1  }
0x15: {  	[smem:$0x3FB4] =	sst s0;
	s0 =	simm.s32 @!p2 $0x0  }
0x16: {  	s3 =	sld [smem:$0x3FDB];
	s0 =	simm.s32 @p2 $0x1  }
0x17: {  	s4 =	simm.s32 $0x1BF5;
	[smem:$0x3FB6] =	sst s0  }
0x18: {  	s0 =	sld [smem:$0x3F99];
	_ =	swait.ge [sflag:s4], $0x0  }
0x19: {  	s7 =	sld [smem:$0x3F9A]  }
0x1a: {  	s8 =	sadd.s32 $0xFFFFE003, lr  }
0x1b: {  	s9 =	sadd.s32 $0xFFFFFEF7, lr;
	s5 =	simm.s32 $0xFFFFFFFF;
	p2 =	slt.u32 s8, $0xFFFFF086  }
0x1c: {  	p1 =	slt.u32 s9, $0xF7A;
	s5 =	simm.s32 @!p2 $0x0  }
0x1d: {  	s5 =	simm.s32 @p1 $0x1;
	p0 =	seq.s32 s7, s2  }
0x1e: {  	s7 =	smul.u32 @!p0 $0xF7A, s2;
	p2 =	seq.s32 @!p0 s5, $0x0  }
0x1f: {  	s9 =	smul.u32 $0xF7A, s1;
	s8 =	simm.s32 @!p0 $0x1BF5;
	p2 =	por !p2, p0  }
0x20: {  	[sflag:s8] =	ssyncset.s32 @!p0 $0xFFFFF086;
	s6 =	sadd.s32 @!p0 s3, s7;
	s7 =	simm.s32 @!p0 $0x108  }
0x21: {  	s3 =	sadd.s32 s3, s9;
	s6 =	sadd.s32 @!p0 $0x88, s6;
	s7 =	simm.s32 @p2 $0x1082  }
0x22: {  	[simem:s7], [sflag:s8] =	dma.local @!p0 [hbm:s6], $0xF7A  }
0x23: {  	s9 =	sor.u32 $0xD0000000, s2;
	s6 =	simm.s32 $0x108;
	_ =	swait.ge @!p0 [sflag:s8], $0x0  }
0x24: {  	s3 =	sadd.s32 $0x88, s3;
	s6 =	simm.s32 @!p1 $0x1082;
	[sflag:s4] =	ssyncset.s32 $0xFFFFF086  }
0x25: {  	[simem:s6], [sflag:s4] =	dma.local [hbm:s3], $0xF7A  }
0x26: {  	[smem:$0x3F9A] =	sst s1;
	(tag) =	ssettag s2;
	_ =	strace s9  }
0x27: {  	s1 =	sld [smem:$0x3FAA]  }
0x28: {  	s2 =	sld [smem:$0x3FAB]  }
0x29: {  	s4 =	sld [smem:$0x3FAD]  }
0x2a: {  	p0 =	seq.s32 s5, $0x0;
	s5 =	sld [smem:$0x3FAE]  }
0x2b: {  	s6 =	sld [smem:$0x3FAF]  }
0x2c: {  	s7 =	sld [smem:$0x3FB0]  }
0x2d: {  	s3 =	simm.s32 $0x108;
	s8 =	sld [smem:$0x3FB1]  }
0x2e: {  	s3 =	simm.s32 @!p0 $0x1082;
	s9 =	sld [smem:$0x3FB2]  }
0x2f: {  	lr =	sadd.s32 s0, s3;
	s0 =	sld [smem:$0x3FA9]  }
0x30: {  	s3 =	sld [smem:$0x3FAC]  }
0x31: {  	[smem:$0x3FB5] =	sst s10  }
0x32: {  	s10 =	sld [smem:$0x3FB3];
	_ =	sdelay $0x3  }
0x33: {  	p0 =	seq.s32 s10, $0x1;
	s10 =	sld [smem:$0x3FB5];
	_ =	sdelay $0x3  }
0x34: {  	[smem:$0x3FB5] =	sst s10  }
0x35: {  	s10 =	sld [smem:$0x3FB4];
	_ =	sdelay $0x3  }
0x36: {  	p1 =	seq.s32 s10, $0x1;
	s10 =	sld [smem:$0x3FB5];
	_ =	sdelay $0x3  }
0x37: {  	[smem:$0x3FB5] =	sst s10  }
0x38: {  	s10 =	sld [smem:$0x3FB6]  }
0x39: {  	_ = 	snop;
	(pc) =	sbr.ind lr, $3  }
0x3a: {  	_ = 	snop  }
0x3b: {  	_ = 	snop  }
0x3c: {  	p2 =	seq.s32 s10, $0x1;
	s10 =	sld [smem:$0x3FB5]  }
0x3d: {  	_ =	shalt  }
0x3e: {  	_ =	shalt  }
0x3f: {  	_ =	shalt  }
0x40: {  	_ =	shalt  }
0x41: {  	_ =	shalt  }
0x42: {  	_ =	shalt  }
0x43: {  	_ =	shalt  }
0x44: {  	_ =	shalt  }
0x45: {  	_ =	shalt  }
0x46: {  	_ =	shalt  }
0x47: {  	_ =	shalt  }
0x48: {  	_ =	shalt  }
0x49: {  	_ =	shalt  }
0x4a: {  	_ =	shalt  }
0x4b: {  	_ =	shalt  }
0x4c: {  	_ =	shalt  }
0x4d: {  	_ =	shalt  }
0x4e: {  	_ =	shalt  }
0x4f: {  	_ =	shalt  }
0x50: {  	_ =	shalt  }
0x51: {  	_ =	shalt  }
0x52: {  	_ =	shalt  }
0x53: {  	_ =	shalt  }
0x54: {  	_ =	shalt  }
0x55: {  	_ =	shalt  }
0x56: {  	_ =	shalt  }
0x57: {  	_ =	shalt  }
0x58: {  	_ =	shalt  }
0x59: {  	_ =	shalt  }
0x5a: {  	_ =	shalt  }
0x5b: {  	_ =	shalt  }
0x5c: {  	_ =	shalt  }
0x5d: {  	_ =	shalt  }
0x5e: {  	_ =	shalt  }
0x5f: {  	_ =	shalt  }
0x60: {  	_ =	shalt  }
0x61: {  	_ =	shalt  }
0x62: {  	_ =	shalt  }
0x63: {  	_ =	shalt  }
0x64: {  	_ =	shalt  }
0x65: {  	_ =	shalt  }
0x66: {  	_ =	shalt  }
0x67: {  	_ =	shalt  }
0x68: {  	_ =	shalt  }
0x69: {  	_ =	shalt  }
0x6a: {  	_ =	shalt  }
0x6b: {  	_ =	shalt  }
0x6c: {  	_ =	shalt  }
0x6d: {  	_ =	shalt  }
0x6e: {  	_ =	shalt  }
0x6f: {  	_ =	shalt  }
0x70: {  	_ =	shalt  }
0x71: {  	_ =	shalt  }
0x72: {  	_ =	shalt  }
0x73: {  	_ =	shalt  }
0x74: {  	_ =	shalt  }
0x75: {  	_ =	shalt  }
0x76: {  	_ =	shalt  }
0x77: {  	_ =	shalt  }
0x78: {  	_ =	shalt  }
0x79: {  	_ =	shalt  }
0x7a: {  	_ =	shalt  }
0x7b: {  	_ =	shalt  }
0x7c: {  	_ =	shalt  }
0x7d: {  	_ =	shalt  }
0x7e: {  	_ =	shalt  }
0x7f: {  	_ =	shalt  }
0x80: {  	_ =	shalt  }
0x81: {  	_ =	shalt  }
0x82: {  	_ =	shalt  }
0x83: {  	_ =	shalt  }
0x84: {  	_ =	shalt  }
0x85: {  	_ =	shalt  }
0x86: {  	_ =	shalt  }
0x87: {  	_ =	shalt  }
.Lfunc_end0:
.L_simem_size_0:
called_computation_lowered:
.L_overlay_start_0:
0x88: {  	s0 =	sld [smem:$0x3FD9]  }
0x89: {  	s1 =	sld [smem:$0x3FFE];
	_ =	sdelay $0x3  }
0x8a: {  	s0 =	sadd.s32 s1, s0  }
0x8b: {  	[smem:$0x3FC1] =	sst s0  }
0x8c: {  	_ = 	snop  }
0x8d: {  	s0 =	sld [smem:$0x3FD0];
	_ =	sdelay $0x2  }
0x8e: {  	s2 =	simm.s32 $0xA;
	s3 =	simm.s32 $0x10;
	s13 =	sld [smem:$0x3FC7]  }
0x8f: {  	[smem:s3], [sflag:s2] =	dma.local [hbm:s0], $0x1  }
0x90: {  	_ =	swait.eq [sflag:s2], $0x1  }
0x91: {  	[sflag:s2] =	ssyncset.done $0x0  }
0x92: {  	[sflag:s2] =	ssyncadd.s32 $0xFFFFFFFF  }
0x93: {  	s14 =	sld [smem:$0x10];
	(tm) =	ssettm $0x1  }
0x94: {  	s15 =	sld [smem:$0x3FFB];
	_ =	sdelay $0x3  }
0x95: {  	_ =	strace s15  }
0x96: {  	s2 =	sld [smem:$0x3FFC];
	_ =	sdelay $0x3  }
0x97: {  	_ =	strace s2  }
0x98: {  	s2 =	sld [smem:$0x3FFD];
	_ =	sdelay $0x3  }
0x99: {  	_ =	strace s2  }
0x9a: {  	_ =	strace $0x8FFFFFFF  }
0x9b: {  	s16 =	sld [smem:$0x3FDB];
	_ =	sdelay $0x1  }
0x9c: {  	s17 =	simm.s32 $_scs_section_size  }
0x9d: {  	s4 =	simm.s32 $_size__tile_overlayer_lowered;
	s5 =	simm.s32 $_tile_overlayer_lowered  }
0x9e: {  	s20 =	simm.s32 $0x1BFF;
	s19 =	sshll.u32 s5, $0x1;
	s2 =	sadd.s32 s17, s16  }
0x9f: {  	s6 =	simm.s32 $0x0;
	s18 =	sshll.u32 s4, $0x1;
	s4 =	sadd.s32 s19, s2  }
0xa0: {  	[timem:s6], [sflag:s20] =	dma.local [hbm:s4], s18  }
0xa1: {  	_ =	swait.ge [sflag:s20], s18  }
0xa2: {  	s3 =	ssub.s32 $0x0, s18;
	[sflag:s20] =	ssyncset.done $0x0  }
0xa3: {  	[sflag:s20] =	ssyncadd.s32 s3;
	_ =	sdelay $0x1  }
0xa4: {  	s21 =	simm.s32 $0x1B8B  }
0xa5: {  	_ =	swait.ge [sflag:s21], $0x1  }
0xa6: {  	[sflag:s21] =	ssyncset.done $0x0  }
0xa7: {  	s23 =	simm.s32 $0x1B8E;
	s22 =	sld [smem:$0x3FFE];
	[sflag:s21] =	ssyncadd.s32 $0xFFFFFFFF  }
0xa8: {  	s24 =	simm.s32 $execute0_lowered;
	[smem:$0x3FD2] =	sst s23  }
0xa9: {  	s4 =	sshll.u32 s24, $0x1;
	_ =	strace $0x80000046;
	[dreg:$0x1] =	wrdreg $0xFFFFFFFF  }
0xaa: {  	s25 =	simm.s32 $_size_execute0_lowered;
	s2 =	sadd.s32 s2, s4;
	[dreg:$0x0] =	wrdreg $0x0  }
0xab: {  	s4 =	sshll.u32 s25, $0x1;
	[dreg:$0x2] =	wrdreg s2  }
0xac: {  	[dreg:$0x3] =	wrdreg s4  }
0xad: {  	[dreg:$0x4] =	wrdreg $0xC0  }
0xae: {  	_ =	task [dreg:s6], $0x5FFFF  }
0xaf: {  	[dreg:$0x1] =	wrdreg $0xFFFFFFFF  }
0xb0: {  	[dreg:$0x0] =	wrdreg $0x60  }
0xb1: {  	[dreg:$0x2] =	wrdreg s13  }
0xb2: {  	[dreg:$0x3] =	wrdreg s22  }
0xb3: {  	[dreg:$0x4] =	wrdreg s14  }
0xb4: {  	[dreg:$0x5] =	wrdreg $0xB000  }
0xb5: {  	[dreg:$0x6] =	wrdreg $0x9  }
0xb6: {  	_ =	task.clear_ibuf [dreg:s6], $0x7FFFF;
	_ =	strace $0x90000046  }
0xb7: {  	s26 =	simm.s32 $0x9;
	_ =	strace $0x80000048  }
0xb8: {  	_ =	swait.ge [sflag:s26], $0x1  }
0xb9: {  	[sflag:s26] =	ssyncadd.s32 $0xFFFFFFFF  }
0xba: {  	_ =	strace $0x90000048  }
0xbb: {  	_ =	sfence  }
0xbc: {  	s28 =	sld [smem:$0x0];
	_ =	sdelay $0x1  }
0xbd: {  	s29 =	srdreg.scid  }
0xbe: {  	s30 =	sshll.u32 s29, $0xD;
	s31 =	sshrl.u32 s29, $0x2  }
0xbf: {  	s1 =	sand.u32 $0x1, s29;
	s2 =	sand.u32 $0x4000, s30;
	s0 =	sadd.s32 s31, s28  }
0xc0: {  	s1 =	sor.u32 s2, s1;
	s0 =	sshll.u32 s0, $0x11  }
0xc1: {  	s0 =	sor.u32 s0, s1  }
0xc2: {  	s0 =	sadd.s32 $0x8F2B, s0  }
0xc3: {  	[sflag:s0] =	ssyncadd.remote.s32 $0x1  }
0xc4: {  	_ =	sfence.sel $0xFFFF  }
0xc5: {  	[dreg:$0x0] =	wrdreg $0xFFFFFFFF;
	(pc) =	sbr.abs _section_cstart, $3  }
0xc6: {  	[dreg:$0x1] =	wrdreg $0xFFFFFFFF  }
0xc7: {  	_ =	task.clear_ibuf [dreg:s6], $0x2FFFF;
	_ =	strace $0x9FFFFFFF  }
0xc8: {  	(tm) =	ssettm $0x7FFFFFFF  }
0xc9: {  	_ =	shalt  }
tec
execute0_lowered:
.L_overlay_start_1:
0x0: {  	(tag) =	ssettag $0x1  }
0x1: {  	s4 =	rddreg [dreg:$0x0]  }
0x2: {  	s5 =	rddreg [dreg:$0x1]  }
0x3: {  	s1 =	rddreg [dreg:$0x2]  }
0x4: {  	s2 =	rddreg [dreg:$0x3];
	s6 =	simm.s32 $0x0;
	s3 =	stileid.u32  }
0x5: {  	[smem:$0x7FF] =	sst s6;
	s7 =	sshll.u32 s3, $0x8  }
0x6: {  	s0 =	rddreg [dreg:$0x4];
	_ =	strace $0x80000047;
	s4 =	sadd.s32 s4, s7  }
0x7: {  	[tilespmem:s6], [sflag:$0x1] =	stream.linear.gather [hbm4b:s4+s6], $0x800, $0x38;
	[tilespmem:$0xB10] =	vst v63  }
0x8: {  	s29 =	simm.s32 $0x800;
	s30 =	simm.s32 $0x1;
	s28 =	sadd.s32 $0xC00, s5  }
0x9: {  	[tilespmem:s29], [sflag:$0x1] =	stream.linear.gather [hbm4b:s28+s6], $0x100, $0x38;
	[tilespmem:$0xB10] =	vst v63  }
0xa: {  	_ =	swait.ge [sflag:s30], $0x800  }
0xb: {  	[sflag:s30] =	ssyncset.done $0x0  }
0xc: {  	[sflag:s30] =	ssyncadd.s32 $0xFFFFF800  }
0xd: {  	_ =	swait.ge [sflag:s30], $0x100  }
0xe: {  	[sflag:s30] =	ssyncset.done $0x0  }
0xf: {  	[sflag:s30] =	ssyncadd.s32 $0xFFFFFF00  }
0x10: {  	v0 =	vld [tilespmem:$0x800]  }
0x11: {  	v1 =	vld [tilespmem:$0x810]  }
0x12: {  	v2 =	vld [tilespmem:$0x820]  }
0x13: {  	v3 =	vld [tilespmem:$0x830]  }
0x14: {  	v4 =	vld [tilespmem:$0x840]  }
0x15: {  	v5 =	vld [tilespmem:$0x850]  }
0x16: {  	v6 =	vld [tilespmem:$0x860]  }
0x17: {  	v7 =	vld [tilespmem:$0x870]  }
0x18: {  	v8 =	vld [tilespmem:$0x880]  }
0x19: {  	v9 =	vld [tilespmem:$0x890]  }
0x1a: {  	v10 =	vld [tilespmem:$0x8A0]  }
0x1b: {  	v11 =	vld [tilespmem:$0x8B0]  }
0x1c: {  	v13 =	vlaneseq.u32;
	v12 =	vld [tilespmem:$0x8D0]  }
0x1d: {  	v15 =	vor.u32 $0x10, v13;
	s4 =	sshll.u32 s3, $0xB;
	v14 =	vld [tilespmem:$0x8E0]  }
0x1e: {  	v18 =	vor.u32 s4, v15;
	v16 =	vld [tilespmem:$0x8F0]  }
0x1f: {  	v23 =	vimm.s32 $0x0;
	v19 =	vor.u32 s4, v13;
	v17 =	vld [tilespmem:$0x8C0];
	vm0 =	vlt.s32 v18, v0  }
0x20: {  	vm3 =	vlt.s32 v18, v1;
	vm4 =	vlt.s32 v18, v2;
	vm5 =	vlt.s32 v18, v3  }
0x21: {  	vm6 =	vlt.s32 v18, v4;
	vm7 =	vlt.s32 v18, v5;
	vm9 =	vlt.s32 v18, v6  }
0x22: {  	s31 =	simm.s32 $0x0;
	vm10 =	vlt.s32 v18, v7;
	vm11 =	vlt.s32 v18, v8;
	vm12 =	vlt.s32 v18, v9  }
0x23: {  	v20 =	vld [tilespmem:s31+$0x10];
	vm13 =	vlt.s32 v18, v10;
	vm2 =	vlt.s32 v18, v11;
	vm1 =	vlt.s32 v18, v12  }
0x24: {  	vm8 =	vlt.s32 v18, v14;
	vm14 =	vlt.s32 v18, v16;
	vm15 =	vlt.s32 v18, v17  }
0x25: {  	v18 =	vimm.s32 $0x0;
	vm14 =	vmxor vm14, vm8;
	vm8 =	vmxor vm8, vm1  }
0x26: {  	vm1 =	vmxor vm1, vm15;
	v18 =	vsel vm14, $0xFFFFFFFF, v18;
	vm14 =	vmxor vm5, vm4  }
0x27: {  	vm4 =	vmxor vm4, vm3;
	vm3 =	vmxor vm3, vm0;
	[tilespmem:$0x1FFC0] =	vst v18;
	v18 =	vimm.s32 $0x0  }
0x28: {  	v21 =	vnsel vm3, $0x0, v20;
	v22 =	vnsel vm4, $0x0, v20;
	v18 =	vsel vm8, $0xFFFFFFFF, v18  }
0x29: {  	v25 =	vnsel vm14, $0x0, v20;
	vm14 =	vlt.s32 v19, v6;
	[tilespmem:$0x1FFD0] =	vst v18;
	v18 =	vimm.s32 $0x0  }
0x2a: {  	vm3 =	vlt.s32 v19, v10;
	vm4 =	vlt.s32 v19, v11;
	v18 =	vsel vm1, $0xFFFFFFFF, v18  }
0x2b: {  	vm1 =	vmxor vm15, vm2;
	vm2 =	vmxor vm2, vm13;
	vm13 =	vmxor vm13, vm12  }
0x2c: {  	vm12 =	vmxor vm12, vm11;
	vm11 =	vmxor vm11, vm10;
	vm10 =	vmxor vm10, vm9  }
0x2d: {  	vm9 =	vmxor vm9, vm7;
	vm7 =	vmxor vm7, vm6;
	vm6 =	vmxor vm6, vm5  }
0x2e: {  	vm5 =	vlt.s32 v19, v4;
	vm15 =	vlt.s32 v19, v5;
	[tilespmem:$0x1FFE0] =	vst v18;
	v18 =	vnsel vm0, $0x0, v20  }
0x2f: {  	vm0 =	vlt.s32 v19, v3;
	v27 =	vnsel vm6, $0x0, v20;
	vm6 =	vlt.s32 v19, v7  }
0x30: {  	v28 =	vnsel vm7, $0x0, v20;
	vm7 =	vlt.s32 v19, v8;
	v42 =	vnsel vm9, $0x0, v20  }
0x31: {  	vm9 =	vlt.s32 v19, v9;
	v43 =	vnsel vm10, $0x0, v20;
	v41 =	vnsel vm12, $0x0, v20  }
0x32: {  	vm12 =	vlt.s32 v19, v17;
	v38 =	vnsel vm13, $0x0, v20;
	v39 =	vnsel vm2, $0x0, v20  }
0x33: {  	vm2 =	vlt.s32 v19, v14;
	v35 =	vnsel vm1, $0x0, v20;
	vm1 =	vlt.s32 v19, v16  }
0x34: {  	vm13 =	vlt.s32 v19, v12;
	vm10 =	vmxor vm14, vm15;
	vm1 =	vmxor vm1, vm2  }
0x35: {  	vm8 =	vmxor vm2, vm13;
	vm2 =	vmxor vm13, vm12;
	vm13 =	vlt.s32 v19, v1  }
0x36: {  	v36 =	vld [tilespmem:s31+$0x0];
	v23 =	vsel vm2, $0xFFFFFFFF, v23;
	vm2 =	vmxor vm12, vm4;
	vm4 =	vmxor vm4, vm3  }
0x37: {  	vm3 =	vmxor vm3, vm9;
	vm9 =	vmxor vm9, vm7;
	vm7 =	vmxor vm7, vm6  }
0x38: {  	vm6 =	vmxor vm6, vm14;
	vm12 =	vlt.s32 v19, v0;
	vm14 =	vlt.s32 v19, v2;
	v19 =	vld [tilespmem:$0x1FFE0];
	_ =	sdelay $0x1  }
0x39: {  	v26 =	vimm.f32 $0.0e+00;
	v40 =	vnsel vm11, $0x0, v20;
	vm11 =	vmxor vm15, vm5  }
0x3a: {  	vm5 =	vmxor vm5, vm0;
	v31 =	vnsel vm11, $0x0, v36;
	v33 =	vnsel vm10, $0x0, v36  }
0x3b: {  	v30 =	vnsel vm5, $0x0, v36;
	vm0 =	vmxor vm0, vm14;
	vm14 =	vmxor vm14, vm13  }
0x3c: {  	vm13 =	vmxor vm13, vm12;
	vm15 =	vnez.u8 v19;
	v19 =	vnsel vm12, $0x0, v36  }
0x3d: {  	[tilespmem:$0x1FFF0] =	vst v23;
	v23 =	vnsel vm13, $0x0, v36;
	v24 =	vnsel vm14, $0x0, v36;
	v19 =	vadd.f32 v19, v26  }
0x3e: {  	v29 =	vnsel vm0, $0x0, v36;
	v23 =	vadd.f32 v23, v26;
	v32 =	vadd.f32 v24, v26  }
0x3f: {  	vm5 =	vmmov vm8;
	v29 =	vadd.f32 v29, v26;
	v24 =	vadd.f32 v18, v19;
	v19 =	vld [tilespmem:$0x1FFF0]  }
0x40: {  	v33 =	vadd.f32 v33, v26;
	v44 =	vnsel vm7, $0x0, v36;
	v23 =	vadd.f32 v21, v23  }
0x41: {  	v45 =	vnsel vm9, $0x0, v36;
	v22 =	vadd.f32 v22, v32;
	v21 =	vadd.f32 v25, v29  }
0x42: {  	v25 =	vadd.f32 v31, v26;
	v32 =	vimm.f32 $0.0e+00;
	v31 =	vimm.f32 $0.0e+00  }
0x43: {  	v29 =	vimm.f32 $0.0e+00;
	v37 =	vnsel vm15, $0x0, v20;
	v18 =	vnsel vm6, $0x0, v36  }
0x44: {  	v34 =	vadd.f32 v18, v26;
	vm6 =	vnez.u8 v19;
	v19 =	vadd.f32 v30, v26  }
0x45: {  	v18 =	vadd.f32 v28, v25;
	v28 =	vimm.f32 $0.0e+00;
	v25 =	vimm.f32 $0.0e+00  }
0x46: {  	s5 =	simm.s32 $0x80;
	v30 =	vimm.f32 $0.0e+00;
	v19 =	vadd.f32 v27, v19;
	v27 =	vimm.f32 $0.0e+00  }
.LBB2_1:
0x47: {  	v46 =	vnsel vm3, $0x0, v36;
	v26 =	vadd.f32 v44, v26;
	v32 =	vadd.f32 v45, v32  }
0x48: {  	v48 =	vnsel vm4, $0x0, v36;
	v49 =	vnsel vm2, $0x0, v36;
	v50 =	vnsel vm6, $0x0, v36  }
0x49: {  	v51 =	vnsel vm5, $0x0, v36;
	v52 =	vnsel vm1, $0x0, v36;
	v56 =	vimm.s32 $0x0  }
0x4a: {  	v57 =	vimm.s32 $0x0;
	v58 =	vimm.s32 $0x0;
	v59 =	vimm.s32 $0x0  }
0x4b: {  	v53 =	vld [tilespmem:$0x1FFD0];
	v60 =	vimm.s32 $0x0;
	v33 =	vadd.f32 v42, v33;
	v34 =	vadd.f32 v43, v34  }
0x4c: {  	v54 =	vld [tilespmem:$0x1FFC0];
	v61 =	vimm.s32 $0x0;
	v30 =	vadd.f32 v46, v30;
	v31 =	vadd.f32 v48, v31  }
0x4d: {  	v62 =	vimm.s32 $0x0;
	v29 =	vadd.f32 v49, v29;
	v27 =	vadd.f32 v50, v27  }
0x4e: {  	s4 =	sadd.s32 $0x20, s4;
	v63 =	vimm.s32 $0x0;
	v28 =	vadd.f32 v51, v28;
	v25 =	vadd.f32 v52, v25  }
0x4f: {  	v55 =	vor.u32 s4, v15;
	v42 =	vimm.s32 $0x0;
	v43 =	vimm.s32 $0x0  }
0x50: {  	v26 =	vadd.f32 v40, v26;
	v32 =	vadd.f32 v41, v32;
	vm0 =	vnez.u8 v53  }
0x51: {  	v40 =	vimm.s32 $0x0;
	v36 =	vnsel vm0, $0x0, v20;
	vm0 =	vnez.u8 v54  }
0x52: {  	v41 =	vimm.s32 $0x0;
	v20 =	vnsel vm0, $0x0, v20;
	vm0 =	vlt.s32 v55, v0  }
0x53: {  	v28 =	vadd.f32 v36, v28;
	v36 =	vsel vm0, $0xFFFFFFFF, v56;
	vm0 =	vlt.s32 v55, v11  }
0x54: {  	v30 =	vadd.f32 v38, v30;
	[tilespmem:$0x1FED0] =	vst v36;
	v36 =	vsel vm0, $0xFFFFFFFF, v57;
	vm0 =	vlt.s32 v55, v17  }
0x55: {  	v25 =	vadd.f32 v20, v25;
	[tilespmem:$0x1FDD0] =	vst v36;
	v36 =	vsel vm0, $0xFFFFFFFF, v58;
	vm0 =	vlt.s32 v55, v14  }
0x56: {  	v20 =	vor.u32 s4, v13;
	[tilespmem:$0x1FDE0] =	vst v36;
	v36 =	vsel vm0, $0xFFFFFFFF, v59;
	vm0 =	vlt.s32 v55, v16  }
0x57: {  	v29 =	vadd.f32 v35, v29;
	[tilespmem:$0x1FDF0] =	vst v36;
	v35 =	vsel vm0, $0xFFFFFFFF, v60;
	vm0 =	vlt.s32 v20, v0  }
0x58: {  	v31 =	vadd.f32 v39, v31;
	vm5 =	vlt.s32 v20, v2;
	[tilespmem:$0x1FE20] =	vst v35;
	v35 =	vsel vm0, $0xFFFFFFFF, v61  }
0x59: {  	v27 =	vadd.f32 v37, v27;
	[tilespmem:$0x1FE00] =	vst v35;
	v35 =	vsel vm5, $0xFFFFFFFF, v62;
	vm5 =	vlt.s32 v20, v4  }
0x5a: {  	v36 =	vimm.s32 $0x0;
	[tilespmem:$0x1FE10] =	vst v35;
	v35 =	vsel vm5, $0xFFFFFFFF, v63;
	vm5 =	vlt.s32 v20, v5  }
0x5b: {  	v37 =	vimm.s32 $0x0;
	[tilespmem:$0x1FE30] =	vst v35;
	v35 =	vsel vm5, $0xFFFFFFFF, v36;
	vm5 =	vlt.s32 v20, v6  }
0x5c: {  	v38 =	vimm.s32 $0x0;
	[tilespmem:$0x1FE40] =	vst v35;
	v35 =	vsel vm5, $0xFFFFFFFF, v37;
	vm5 =	vlt.s32 v20, v7  }
0x5d: {  	v39 =	vimm.s32 $0x0;
	[tilespmem:$0x1FE50] =	vst v35;
	v35 =	vsel vm5, $0xFFFFFFFF, v38;
	vm5 =	vlt.s32 v20, v8  }
0x5e: {  	vm15 =	vlt.s32 v20, v3;
	[tilespmem:$0x1FE60] =	vst v35;
	v35 =	vsel vm5, $0xFFFFFFFF, v39;
	vm5 =	vlt.s32 v20, v9  }
0x5f: {  	vm6 =	vlt.s32 v20, v17;
	[tilespmem:$0x1FE70] =	vst v35;
	v35 =	vsel vm5, $0xFFFFFFFF, v40;
	vm5 =	vlt.s32 v20, v10  }
0x60: {  	vm7 =	vlt.s32 v20, v12;
	[tilespmem:$0x1FE80] =	vst v35;
	v35 =	vsel vm5, $0xFFFFFFFF, v41;
	vm5 =	vlt.s32 v20, v11  }
0x61: {  	vm0 =	vlt.s32 v20, v1;
	[tilespmem:$0x1FE90] =	vst v35;
	v35 =	vsel vm5, $0xFFFFFFFF, v42;
	vm5 =	vlt.s32 v20, v14  }
0x62: {  	[tilespmem:$0x1FEA0] =	vst v35;
	v35 =	vsel vm5, $0xFFFFFFFF, v43;
	vm5 =	vlt.s32 v20, v16;
	v20 =	vimm.s32 $0x0  }
0x63: {  	v20 =	vsel vm5, $0xFFFFFFFF, v20  }
0x64: {  	[tilespmem:$0x1FEC0] =	vst v20;
	v20 =	vld [tilespmem:$0x1FED0];
	_ =	sdelay $0x4  }
0x65: {  	vm4 =	vlt.s32 v55, v1;
	vm5 =	vnez.u8 v20  }
0x66: {  	v20 =	vimm.s32 $0x0;
	vm5 =	vmxor vm4, vm5  }
0x67: {  	vm8 =	vlt.s32 v55, v2;
	v20 =	vsel vm5, $0xFFFFFFFF, v20  }
0x68: {  	vm4 =	vmxor vm8, vm4;
	[tilespmem:$0x1FEE0] =	vst v20;
	v20 =	vimm.s32 $0x0  }
0x69: {  	vm9 =	vlt.s32 v55, v3;
	v20 =	vsel vm4, $0xFFFFFFFF, v20  }
0x6a: {  	vm4 =	vmxor vm9, vm8;
	[tilespmem:$0x1FEF0] =	vst v20;
	v20 =	vimm.s32 $0x0  }
0x6b: {  	vm1 =	vlt.s32 v55, v4;
	v20 =	vsel vm4, $0xFFFFFFFF, v20  }
0x6c: {  	vm4 =	vmxor vm1, vm9;
	[tilespmem:$0x1FF00] =	vst v20;
	v20 =	vimm.s32 $0x0  }
0x6d: {  	vm10 =	vlt.s32 v55, v5;
	v20 =	vsel vm4, $0xFFFFFFFF, v20  }
0x6e: {  	vm1 =	vmxor vm10, vm1;
	[tilespmem:$0x1FF10] =	vst v20;
	v20 =	vimm.s32 $0x0  }
0x6f: {  	vm11 =	vlt.s32 v55, v6;
	v20 =	vsel vm1, $0xFFFFFFFF, v20  }
0x70: {  	vm1 =	vmxor vm11, vm10;
	[tilespmem:$0x1FF20] =	vst v20;
	v20 =	vimm.s32 $0x0  }
0x71: {  	vm2 =	vlt.s32 v55, v7;
	v20 =	vsel vm1, $0xFFFFFFFF, v20  }
0x72: {  	vm1 =	vmxor vm2, vm11;
	[tilespmem:$0x1FF30] =	vst v20;
	v20 =	vimm.s32 $0x0  }
0x73: {  	vm12 =	vlt.s32 v55, v8;
	v20 =	vsel vm1, $0xFFFFFFFF, v20  }
0x74: {  	vm1 =	vmxor vm12, vm2;
	[tilespmem:$0x1FF40] =	vst v20;
	v20 =	vimm.s32 $0x0  }
0x75: {  	vm13 =	vlt.s32 v55, v9;
	v20 =	vsel vm1, $0xFFFFFFFF, v20  }
0x76: {  	vm1 =	vmxor vm13, vm12;
	[tilespmem:$0x1FF50] =	vst v20;
	v20 =	vimm.s32 $0x0  }
0x77: {  	vm3 =	vlt.s32 v55, v10;
	v20 =	vsel vm1, $0xFFFFFFFF, v20  }
0x78: {  	vm1 =	vmxor vm3, vm13;
	[tilespmem:$0x1FF60] =	vst v20;
	v20 =	vimm.s32 $0x0  }
0x79: {  	v20 =	vsel vm1, $0xFFFFFFFF, v20  }
0x7a: {  	[tilespmem:$0x1FF70] =	vst v20;
	v20 =	vld [tilespmem:$0x1FDD0];
	_ =	sdelay $0x4  }
0x7b: {  	vm2 =	vnez.u8 v20  }
0x7c: {  	v20 =	vimm.s32 $0x0;
	vm1 =	vmxor vm2, vm3  }
0x7d: {  	v20 =	vsel vm1, $0xFFFFFFFF, v20  }
0x7e: {  	[tilespmem:$0x1FF80] =	vst v20;
	v20 =	vld [tilespmem:$0x1FDE0];
	_ =	sdelay $0x4  }
0x7f: {  	vm1 =	vnez.u8 v20;
	v20 =	vld [tilespmem:$0x1FDF0];
	_ =	sdelay $0x4  }
0x80: {  	vm14 =	vlt.s32 v55, v12;
	vm9 =	vmxor vm1, vm2;
	vm2 =	vnez.u8 v20  }
0x81: {  	vm11 =	vmxor vm14, vm1;
	v20 =	vimm.s32 $0x0;
	vm1 =	vmxor vm2, vm14  }
0x82: {  	v20 =	vsel vm1, $0xFFFFFFFF, v20  }
0x83: {  	[tilespmem:$0x1FFD0] =	vst v20;
	v20 =	vld [tilespmem:$0x1FE00];
	_ =	sdelay $0x3  }
0x84: {  	v44 =	vld [tilespmem:$0x1FE20]  }
0x85: {  	vm14 =	vnez.u8 v20;
	v20 =	vld [tilespmem:$0x1FE10]  }
0x86: {  	v46 =	vld [tilespmem:$0x1FE30]  }
0x87: {  	v47 =	vld [tilespmem:$0x1FE40]  }
0x88: {  	v59 =	vld [tilespmem:$0x1FED0]  }
0x89: {  	v45 =	vimm.s32 $0x0;
	v49 =	vld [tilespmem:$0x1FE50]  }
0x8a: {  	s6 =	sshra.s32 s5, $0x2;
	v48 =	vimm.s32 $0x0;
	v50 =	vld [tilespmem:$0x1FE60];
	vm8 =	vmxor vm0, vm14;
	vm1 =	vnez.u8 v20  }
0x8b: {  	v36 =	vld [tilespmem:s6+$0x0];
	vm12 =	vmxor vm1, vm0;
	vm0 =	vnez.u8 v44;
	vm13 =	vmxor vm15, vm1  }
0x8c: {  	v52 =	vld [tilespmem:$0x1FE70];
	vm1 =	vnez.u8 v46;
	vm0 =	vmxor vm0, vm2;
	vm2 =	vnez.u8 v47  }
0x8d: {  	v53 =	vld [tilespmem:$0x1FE80];
	[tilespmem:$0x1FEB0] =	vst v35;
	v35 =	vsel vm0, $0xFFFFFFFF, v45;
	vm0 =	vmxor vm1, vm15;
	vm1 =	vmxor vm2, vm1  }
0x8e: {  	v55 =	vld [tilespmem:$0x1FE90];
	[tilespmem:$0x1FFC0] =	vst v35;
	v35 =	vsel vm1, $0xFFFFFFFF, v48;
	vm1 =	vnez.u8 v49  }
0x8f: {  	v56 =	vld [tilespmem:$0x1FEA0];
	vm10 =	vmxor vm1, vm2;
	vm2 =	vnez.u8 v50  }
0x90: {  	v51 =	vimm.s32 $0x0;
	v57 =	vld [tilespmem:$0x1FEB0];
	vm1 =	vmxor vm2, vm1  }
0x91: {  	v58 =	vld [tilespmem:$0x1FEC0];
	[tilespmem:$0x1FF90] =	vst v35;
	v35 =	vsel vm1, $0xFFFFFFFF, v51;
	vm1 =	vnez.u8 v52  }
0x92: {  	v20 =	vld [tilespmem:s6+$0x10];
	vm15 =	vmxor vm1, vm2;
	vm2 =	vnez.u8 v53  }
0x93: {  	v54 =	vimm.s32 $0x0;
	v60 =	vld [tilespmem:$0x1FEE0];
	vm4 =	vnez.u8 v55;
	vm1 =	vmxor vm2, vm1  }
0x94: {  	v62 =	vld [tilespmem:$0x1FEF0];
	[tilespmem:$0x1FFA0] =	vst v35;
	vm3 =	vmxor vm4, vm2;
	v35 =	vsel vm1, $0xFFFFFFFF, v54;
	vm1 =	vnez.u8 v56  }
0x95: {  	v49 =	vld [tilespmem:$0x1FF00];
	vm4 =	vmxor vm1, vm4;
	vm2 =	vmxor vm6, vm1;
	vm1 =	vnez.u8 v57  }
0x96: {  	v50 =	vld [tilespmem:$0x1FF10];
	vm6 =	vmxor vm7, vm6;
	vm5 =	vmxor vm1, vm7;
	vm7 =	vnez.u8 v58  }
0x97: {  	v37 =	vnsel vm11, $0x0, v20;
	vm1 =	vmxor vm7, vm1;
	vm7 =	vnez.u8 v59  }
0x98: {  	v51 =	vld [tilespmem:$0x1FF20];
	[tilespmem:$0x1FFB0] =	vst v35;
	v35 =	vnsel vm9, $0x0, v20;
	v44 =	vnsel vm7, $0x0, v20;
	vm7 =	vnez.u8 v60  }
0x99: {  	v52 =	vld [tilespmem:$0x1FF30];
	v58 =	vnsel vm13, $0x0, v36;
	v61 =	vnsel vm7, $0x0, v20;
	vm7 =	vnez.u8 v62  }
0x9a: {  	v21 =	vadd.f32 v58, v21;
	v60 =	vld [tilespmem:$0x1FF90];
	v63 =	vnsel vm7, $0x0, v20;
	vm7 =	vnez.u8 v49  }
0x9b: {  	v59 =	vnsel vm0, $0x0, v36;
	v47 =	vnsel vm7, $0x0, v20;
	vm7 =	vnez.u8 v50  }
0x9c: {  	v53 =	vld [tilespmem:$0x1FF40];
	v19 =	vadd.f32 v59, v19;
	v50 =	vnsel vm14, $0x0, v36;
	v48 =	vnsel vm7, $0x0, v20  }
0x9d: {  	v62 =	vld [tilespmem:$0x1FFA0];
	vm7 =	vnez.u8 v51;
	v51 =	vnsel vm8, $0x0, v36;
	v24 =	vadd.f32 v50, v24  }
0x9e: {  	v54 =	vld [tilespmem:$0x1FF50];
	v21 =	vadd.f32 v47, v21;
	v49 =	vnsel vm7, $0x0, v20;
	vm7 =	vnez.u8 v52  }
0x9f: {  	v55 =	vld [tilespmem:$0x1FF60];
	v52 =	vnsel vm12, $0x0, v36;
	v23 =	vadd.f32 v51, v23;
	vm0 =	vnez.u8 v60  }
0xa0: {  	v56 =	vld [tilespmem:$0x1FF70];
	v19 =	vadd.f32 v48, v19;
	v42 =	vnsel vm7, $0x0, v20;
	v22 =	vadd.f32 v52, v22  }
0xa1: {  	v57 =	vld [tilespmem:$0x1FF80];
	vm7 =	vnez.u8 v53;
	v51 =	vnsel vm0, $0x0, v36;
	v24 =	vadd.f32 v44, v24  }
0xa2: {  	vm0 =	vnez.u8 v62;
	v44 =	vnsel vm15, $0x0, v36;
	v22 =	vadd.f32 v63, v22;
	v63 =	vld [tilespmem:$0x1FFB0]  }
0xa3: {  	p0 =	sne.s32 s5, $0x1F80;
	v43 =	vnsel vm7, $0x0, v20;
	vm7 =	vnez.u8 v54;
	v23 =	vadd.f32 v61, v23  }
.Ltmp0:
0xa4: {  	v61 =	vnsel vm10, $0x0, v36;
	v18 =	vadd.f32 v51, v18;
	v45 =	vnsel vm0, $0x0, v36;
	(pc) =	sbr.rel @p0 .LBB2_1-.Ltmp0, $4  }
0xa5: {  	v40 =	vnsel vm7, $0x0, v20;
	vm7 =	vnez.u8 v55;
	v33 =	vadd.f32 v61, v33  }
0xa6: {  	v34 =	vadd.f32 v45, v34;
	v41 =	vnsel vm7, $0x0, v20;
	vm7 =	vnez.u8 v56  }
0xa7: {  	v38 =	vnsel vm7, $0x0, v20;
	vm7 =	vnez.u8 v57;
	vm0 =	vnez.u8 v63  }
0xa8: {  	s5 =	sadd.s32 $0x80, s5;
	v18 =	vadd.f32 v49, v18;
	v39 =	vnsel vm7, $0x0, v20;
	v45 =	vnsel vm0, $0x0, v36  }
0xa9: {  	v8 =	vadd.f32 v42, v33  }
0xaa: {  	v0 =	vnsel vm3, $0x0, v36;
	v9 =	vadd.f32 v43, v34;
	v1 =	vadd.f32 v44, v26  }
0xab: {  	v2 =	vadd.f32 v45, v32;
	v3 =	vnsel vm4, $0x0, v36;
	v5 =	vnsel vm2, $0x0, v36  }
0xac: {  	v7 =	vnsel vm6, $0x0, v36;
	v55 =	vimm.s32 $0xFEDCBA98;
	v56 =	vimm.s32 $0x76543210  }
0xad: {  	v12 =	vnsel vm5, $0x0, v36;
	v59 =	vimm.s32 $0x3210FEDC;
	v60 =	vimm.s32 $0xBA987654  }
0xae: {  	v61 =	vnsel vm1, $0x0, v36;
	v26 =	vimm.s32 $0x10FEDCBA;
	vm12 =	vmmov $0x1  }
0xaf: {  	vm13 =	vcmask $0x308;
	vm14 =	vcmask $0x70C;
	vm15 =	vcmask $0xB10  }
0xb0: {  	vm4 =	vcmask $0xF14;
	vm5 =	vcmask $0x1318;
	vm6 =	vcmask $0x171C  }
0xb1: {  	vm7 =	vcmask $0x1B20;
	vm8 =	vcmask $0x1F24;
	vm9 =	vcmask $0x2328  }
0xb2: {  	vm10 =	vcmask $0x272C;
	v0 =	vadd.f32 v0, v30;
	v3 =	vadd.f32 v3, v31  }
0xb3: {  	v57 =	vunpack.c.l.s4.s8 v56;
	v58 =	vadd.f32 v5, v29;
	v13 =	vadd.f32 v7, v27  }
0xb4: {  	v17 =	vld [tilespmem:$0x1FFD0];
	v5 =	vunpack.c.l.s4.s8 v60;
	v12 =	vadd.f32 v12, v28;
	v14 =	vadd.f32 v61, v25  }
0xb5: {  	v27 =	vimm.s32 $0x98765432;
	v30 =	vimm.s32 $0xFEDCBA9;
	v31 =	vimm.s32 $0x87654321  }
0xb6: {  	v10 =	vadd.f32 v40, v1;
	v11 =	vadd.f32 v41, v2;
	v1 =	vunpack.c.l.s4.s8 v55  }
0xb7: {  	v33 =	vunpack.c.l.s4.s8 v30;
	v34 =	vunpack.c.l.s4.s8 v31;
	v6 =	vadd.f32 v38, v0  }
0xb8: {  	v4 =	vadd.f32 v39, v3;
	v0 =	vunpack.c.0.s8.s32 v57;
	v3 =	vunpack.c.l.s4.s8 v59  }
0xb9: {  	v63 =	vunpack.c.0.s8.s32 v5;
	v7 =	vadd.f32 v35, v58;
	v1 =	vunpack.c.0.s8.s32 v1  }
0xba: {  	v5 =	vadd.f32 v37, v13;
	v62 =	vunpack.c.0.s8.s32 v3;
	vm0 =	vnez.u8 v17  }
0xbb: {  	v39 =	vld [tilespmem:$0x1FFC0];
	v3 =	vunpack.c.l.s4.s8 v26;
	v17 =	vunpack.c.l.s4.s8 v27;
	v1 =	vand.u32 $0xF, v1  }
0xbc: {  	v36 =	vunpack.c.0.s8.s32 v33;
	v37 =	vunpack.c.0.s8.s32 v34;
	v0 =	vcombine.low v1, v0  }
0xbd: {  	v1 =	vcombine.low v63, v62;
	v3 =	vunpack.c.0.s8.s32 v3;
	v29 =	vunpack.c.0.s8.s32 v17  }
0xbe: {  	v15 =	vnsel vm0, $0x0, v20;
	v25 =	vperm.xlane v24, v0;
	v32 =	vperm.xlane v23, v0  }
0xbf: {  	v12 =	vadd.f32 v15, v12;
	v3 =	vcombine.low v29, v3;
	v35 =	vperm.xlane v22, v0  }
0xc0: {  	vm11 =	vnez.u8 v39;
	v41 =	vperm.xlane v21, v0;
	v47 =	vperm.xlane v19, v0  }
0xc1: {  	v1 =	vand.u32 $0xF, v1;
	v54 =	vperm.xlane v18, v0;
	v59 =	vperm.xlane v8, v0  }
0xc2: {  	v40 =	vnsel vm11, $0x0, v20;
	v63 =	vperm.xlane v9, v0;
	v30 =	vperm.xlane v11, v0  }
0xc3: {  	v39 =	vperm.xlane v4, v0;
	v14 =	vadd.f32 v40, v14;
	v16 =	vadd.f32 v25, v24  }
0xc4: {  	vm11 =	vcmask $0x2B30;
	v23 =	vadd.f32 v32, v23;
	v22 =	vadd.f32 v35, v22  }
0xc5: {  	v2 =	vand.u32 $0xF, v3;
	v13 =	vadd.f32 v41, v21;
	v19 =	vadd.f32 v47, v19  }
0xc6: {  	v3 =	vcombine.low v37, v36;
	v18 =	vadd.f32 v54, v18;
	v8 =	vadd.f32 v59, v8  }
0xc7: {  	v9 =	vadd.f32 v63, v9;
	v35 =	vperm.xlane v6, v0;
	v47 =	vperm.xlane v5, v0  }
0xc8: {  	v11 =	vadd.f32 v30, v11;
	v28 =	vperm.xlane v16, v1;
	v25 =	vperm.xlane v23, v1  }
0xc9: {  	v4 =	vadd.f32 v39, v4;
	v43 =	vperm.xlane v22, v1;
	v46 =	vperm.xlane v13, v1  }
0xca: {  	v3 =	vand.u32 $0xF, v3;
	v52 =	vperm.xlane v19, v1;
	v58 =	vperm.xlane v18, v1  }
0xcb: {  	v24 =	vperm.xlane v8, v1;
	v6 =	vadd.f32 v35, v6;
	v16 =	vadd.f32 v28, v16  }
0xcc: {  	v34 =	vperm.xlane v11, v1;
	v5 =	vadd.f32 v47, v5;
	v42 =	vadd.f32 v25, v23  }
0xcd: {  	v22 =	vadd.f32 v43, v22;
	v13 =	vadd.f32 v46, v13;
	v38 =	vperm.xlane v16, v2  }
0xce: {  	v19 =	vadd.f32 v52, v19;
	v60 =	vadd.f32 v58, v18;
	v25 =	vperm.xlane v10, v0  }
0xcf: {  	v8 =	vadd.f32 v24, v8;
	v45 =	vperm.xlane v42, v2;
	v16 =	vadd.f32 v38, v16  }
0xd0: {  	v18 =	vperm.xlane v9, v1;
	v11 =	vadd.f32 v34, v11;
	v49 =	vperm.xlane v22, v2  }
0xd1: {  	v51 =	vperm.xlane v13, v2;
	v48 =	vadd.f32 v45, v42;
	v44 =	vperm.xlane v16, v3  }
0xd2: {  	v56 =	vperm.xlane v19, v2;
	v62 =	vperm.xlane v60, v2;
	v10 =	vadd.f32 v25, v10  }
0xd3: {  	v17 =	vadd.f32 v49, v22;
	v50 =	vperm.xlane v48, v3;
	v15 =	vadd.f32 v44, v16  }
0xd4: {  	v28 =	vperm.xlane v8, v2;
	v9 =	vadd.f32 v18, v9;
	v13 =	vadd.f32 v51, v13  }
0xd5: {  	v53 =	vperm.xlane v17, v3;
	v16 =	vadd.f32 v50, v48;
	v15 =	vnsel vm12, $0x0, v15  }
0xd6: {  	v19 =	vadd.f32 v56, v19;
	v29 =	vperm.xlane v10, v1;
	v15 =	vadd.f32 $0.0e+00, v15  }
0xd7: {  	v55 =	vperm.xlane v13, v3;
	v17 =	vadd.f32 v53, v17;
	v16 =	vsel vm13, $0x0, v16  }
0xd8: {  	v8 =	vadd.f32 v28, v8;
	v31 =	vperm.xlane v9, v2;
	v15 =	vadd.f32 v16, v15  }
0xd9: {  	v38 =	vperm.xlane v6, v1;
	v13 =	vadd.f32 v55, v13;
	v57 =	vsel vm14, $0x0, v17  }
0xda: {  	v42 =	vperm.xlane v7, v0;
	v49 =	vperm.xlane v12, v0;
	v15 =	vadd.f32 v57, v15  }
0xdb: {  	v10 =	vadd.f32 v29, v10;
	v9 =	vadd.f32 v31, v9;
	v13 =	vsel vm15, $0x0, v13  }
0xdc: {  	v61 =	vperm.xlane v19, v3;
	v13 =	vadd.f32 v13, v15;
	v15 =	vadd.f32 v62, v60  }
0xdd: {  	v32 =	vperm.xlane v8, v3;
	v6 =	vadd.f32 v38, v6;
	v7 =	vadd.f32 v42, v7  }
0xde: {  	v33 =	vperm.xlane v10, v2;
	v17 =	vadd.f32 v61, v19;
	v27 =	vperm.xlane v15, v3  }
0xdf: {  	v8 =	vadd.f32 v32, v8;
	v36 =	vperm.xlane v9, v3;
	v41 =	vperm.xlane v6, v2  }
0xe0: {  	v44 =	vperm.xlane v4, v1;
	v26 =	vsel vm4, $0x0, v17;
	v15 =	vadd.f32 v27, v15  }
0xe1: {  	v48 =	vperm.xlane v7, v1;
	v10 =	vadd.f32 v33, v10;
	v13 =	vadd.f32 v26, v13  }
0xe2: {  	v9 =	vadd.f32 v36, v9;
	v16 =	vperm.xlane v11, v2;
	v15 =	vsel vm5, $0x0, v15  }
0xe3: {  	v8 =	vsel vm6, $0x0, v8;
	v6 =	vadd.f32 v41, v6;
	v13 =	vadd.f32 v15, v13  }
0xe4: {  	v4 =	vadd.f32 v44, v4;
	v37 =	vperm.xlane v10, v3;
	v11 =	vadd.f32 v16, v11  }
0xe5: {  	v50 =	vperm.xlane v5, v1;
	v7 =	vadd.f32 v48, v7;
	v8 =	vadd.f32 v8, v13  }
0xe6: {  	v9 =	vsel vm7, $0x0, v9;
	v10 =	vadd.f32 v37, v10;
	v40 =	vperm.xlane v11, v3  }
0xe7: {  	v0 =	vperm.xlane v14, v0;
	v5 =	vadd.f32 v50, v5;
	v8 =	vadd.f32 v9, v8  }
0xe8: {  	v46 =	vperm.xlane v6, v3;
	v10 =	vsel vm8, $0x0, v10;
	v43 =	vadd.f32 v40, v11  }
0xe9: {  	v11 =	vperm.xlane v4, v2;
	v8 =	vadd.f32 v10, v8;
	v10 =	vadd.f32 v49, v12  }
0xea: {  	v0 =	vadd.f32 v0, v14;
	v51 =	vperm.xlane v7, v2;
	v54 =	vperm.xlane v5, v2  }
0xeb: {  	v6 =	vadd.f32 v46, v6;
	v4 =	vadd.f32 v11, v4;
	v52 =	vperm.xlane v10, v1  }
0xec: {  	v7 =	vadd.f32 v51, v7;
	v5 =	vadd.f32 v54, v5;
	v45 =	vsel vm9, $0x0, v43  }
0xed: {  	v53 =	vperm.xlane v4, v3;
	v1 =	vperm.xlane v0, v1;
	v9 =	vadd.f32 v52, v10  }
0xee: {  	v6 =	vsel vm10, $0x0, v6;
	v55 =	vperm.xlane v7, v3;
	v8 =	vadd.f32 v45, v8  }
0xef: {  	v4 =	vadd.f32 v53, v4;
	v0 =	vadd.f32 v1, v0;
	v10 =	vperm.xlane v9, v2  }
0xf0: {  	v58 =	vperm.xlane v5, v3;
	v57 =	vadd.f32 v55, v7;
	v6 =	vadd.f32 v6, v8  }
0xf1: {  	v56 =	vsel vm11, $0x0, v4;
	v2 =	vperm.xlane v0, v2;
	v59 =	vadd.f32 v10, v9  }
0xf2: {  	vm12 =	vcmask $0x2F34;
	v5 =	vadd.f32 v58, v5;
	v1 =	vadd.f32 v56, v6  }
0xf3: {  	v4 =	vsel vm12, $0x0, v57;
	v0 =	vadd.f32 v2, v0;
	v60 =	vperm.xlane v59, v3  }
0xf4: {  	vm13 =	vcmask $0x3338;
	v1 =	vadd.f32 v4, v1  }
0xf5: {  	v61 =	vsel vm13, $0x0, v5;
	v3 =	vperm.xlane v0, v3;
	v62 =	vadd.f32 v60, v59  }
0xf6: {  	vm14 =	vcmask $0x373C;
	v1 =	vadd.f32 v61, v1  }
0xf7: {  	v0 =	vadd.f32 v3, v0;
	v63 =	vsel vm14, $0x0, v62  }
0xf8: {  	vm15 =	vmmov $0x7fff;
	v1 =	vadd.f32 v63, v1  }
0xf9: {  	v0 =	vsel vm15, $0x0, v0  }
0xfa: {  	v0 =	vadd.f32 v0, v1  }
0xfb: {  	s4 =	sshll.u32 s3, $0x4  }
0xfc: {  	s5 =	simm.s32 $0x900;
	s31 =	simm.s32 $0x2;
	s4 =	sadd.s32 s4, s2;
	[tilespmem:$0x900] =	vst v0  }
0xfd: {  	[spmem:s4] =	stream.linear.scatter [tilespmem:s5], [sflag:$0x2], $0x10, $0x38;
	[tilespmem:$0xB10] =	vst v63  }
0xfe: {  	_ =	swait.ge [sflag:s31], $0x10  }
0xff: {  	[sflag:s31] =	ssyncset.done $0x0  }
0x100: {  	[sflag:s31] =	ssyncadd.s32 $0xFFFFFFF0  }
0x101: {  	p0 =	sne.s32 s3, $0x0;
	[bflag:$0x0] =	sbarrier.arrive $0xFFFF  }
0x102: {  	_ =	sfence.sel @p0 $0x180000  }
0x103: {  	[bflag:$0x0] =	sbarrier.arrive @p0 $0xFFFF  }
0x104: {  	_ =	strace @p0 $0x90000047  }
0x105: {  	s3 =	simm.s32 @!p0 $0x980;
	[bflag:$0x2] =	sbarrier.arrive @p0 $0xFFFF  }
0x106: {  	[tilespmem:s3], [sflag:$0x2] =	stream.linear.gather @!p0 [spmem:s2], $0x100, $0x38;
	[tilespmem:$0xB10] =	vst v63  }
0x107: {  	s2 =	simm.s32 @!p0 $0x2  }
0x108: {  	_ =	swait.ge @!p0 [sflag:s2], $0x100  }
0x109: {  	[sflag:s2] =	ssyncset.done @!p0 $0x0  }
0x10a: {  	[sflag:s2] =	ssyncadd.s32 @!p0 $0xFFFFFF00  }
0x10b: {  	v0 =	vld @!p0 [tilespmem:$0x980]  }
0x10c: {  	v1 =	vld @!p0 [tilespmem:$0x990];
	_ =	sdelay $0x1  }
0x10d: {  	v2 =	vld @!p0 [tilespmem:$0x9A0];
	_ =	sdelay $0x1  }
0x10e: {  	v3 =	vld @!p0 [tilespmem:$0x9B0]  }
0x10f: {  	v0 =	vadd.f32 @!p0 v1, v0  }
0x110: {  	v1 =	vld @!p0 [tilespmem:$0x9C0]  }
0x111: {  	v0 =	vadd.f32 @!p0 v2, v0  }
0x112: {  	v2 =	vld @!p0 [tilespmem:$0x9D0]  }
0x113: {  	v0 =	vadd.f32 @!p0 v3, v0  }
0x114: {  	v3 =	vld @!p0 [tilespmem:$0x9E0]  }
0x115: {  	v0 =	vadd.f32 @!p0 v1, v0  }
0x116: {  	v1 =	vld @!p0 [tilespmem:$0x9F0]  }
0x117: {  	v0 =	vadd.f32 @!p0 v2, v0  }
0x118: {  	v2 =	vld @!p0 [tilespmem:$0xA00]  }
0x119: {  	v0 =	vadd.f32 @!p0 v3, v0  }
0x11a: {  	v3 =	vld @!p0 [tilespmem:$0xA10]  }
0x11b: {  	v0 =	vadd.f32 @!p0 v1, v0  }
0x11c: {  	v1 =	vld @!p0 [tilespmem:$0xA20]  }
0x11d: {  	v0 =	vadd.f32 @!p0 v2, v0  }
0x11e: {  	v2 =	vld @!p0 [tilespmem:$0xA30]  }
0x11f: {  	v0 =	vadd.f32 @!p0 v3, v0  }
0x120: {  	v3 =	vld @!p0 [tilespmem:$0xA40]  }
0x121: {  	v0 =	vadd.f32 @!p0 v1, v0  }
0x122: {  	v1 =	vld @!p0 [tilespmem:$0xA50]  }
0x123: {  	v0 =	vadd.f32 @!p0 v2, v0  }
0x124: {  	v2 =	vld @!p0 [tilespmem:$0xA60]  }
0x125: {  	v0 =	vadd.f32 @!p0 v3, v0  }
0x126: {  	v3 =	vld @!p0 [tilespmem:$0xA70]  }
0x127: {  	v0 =	vadd.f32 @!p0 v1, v0;
	_ =	sdelay $0x1  }
0x128: {  	v0 =	vadd.f32 @!p0 v2, v0;
	_ =	sdelay $0x1  }
0x129: {  	v0 =	vadd.f32 @!p0 v3, v0;
	_ =	sdelay $0x1  }
0x12a: {  	s4 =	simm.s32 @!p0 $0xA80;
	s3 =	simm.s32 @!p0 $0x0;
	[tilespmem:$0xA80] =	vst @!p0 v0  }
0x12b: {  	[hbm4b:s1+s3] =	stream.linear.scatter @!p0 [tilespmem:s4], [sflag:$0x2], $0x80, $0x38;
	[tilespmem:$0xB10] =	vst v63  }
0x12c: {  	_ =	swait.ge @!p0 [sflag:s2], $0x80  }
0x12d: {  	[sflag:s2] =	ssyncset.done @!p0 $0x0  }
0x12e: {  	[sflag:s2] =	ssyncadd.s32 @!p0 $0xFFFFFF80  }
0x12f: {  	_ =	sfence.sel @!p0 $0x180000  }
0x130: {  	[bflag:$0x0] =	sbarrier.arrive @!p0 $0xFFFF  }
0x131: {  	_ =	strace @!p0 $0x90000047  }
0x132: {  	s0 =	sadd.s32 @!p0 $0x100000, s0;
	[bflag:$0x2] =	sbarrier.arrive @!p0 $0xFFFF  }
0x133: {  	[sflag:s0] =	ssyncadd.tile.s32 @!p0 $0x1;
	_ =	shalt  }
.Lfunc_end2:
_tile_overlayer_lowered:
.L_overlay_start_2:
0x134: {  	(tag) =	ssettag $0x2  }
0x135: {  	s0 =	rddreg [dreg:$0x0];
	s2 =	stileid.u32  }
0x136: {  	s1 =	rddreg [dreg:$0x1];
	p0 =	sne.s32 s2, $0x0  }
0x137: {  	s3 =	rddreg [dreg:$0x2];
	[bflag:$0x3] =	sbarrier.arrive $0xFFFF;
	s2 =	simm.s32 @!p0 $0x1C02  }
0x138: {  	[timem:s3], [sflag:s2] =	dma.local @!p0 [hbm:s0], s1  }
0x139: {  	s0 =	simm.s32 @!p0 $0x2  }
0x13a: {  	_ =	swait.ge @!p0 [sflag:s0], s1  }
0x13b: {  	s1 =	ssub.s32 @!p0 $0x0, s1;
	[sflag:s0] =	ssyncset.done @!p0 $0x0  }
0x13c: {  	[sflag:s0] =	ssyncadd.s32 @!p0 s1  }
0x13d: {  	[bflag:$0x3] =	sbarrier.arrive $0xFFFF  }
0x13e: {  	_ =	shalt  }

</sc_bundles>
